<compile_context>
chip_gen: v7x
topology: tpu7x:2x2x1
jax: 0.10.2.dev20260603
libtpu: 0.0.44.dev20260713+nightly
codegen_flags: <defaults>
</compile_context>

<pallas_src>
import functools

import jax
import jax.numpy as jnp
from jax import lax
from jax.experimental import pallas as pl
from jax.experimental.pallas import tpu as pltpu
from jax.experimental.pallas import tpu_sc as plsc

N, S, A = 1024, 200, 3
E = 128
NROWS = N * S
NC, NSUB = 2, 16
NW = NC * NSUB
ROWS_PER_W = NROWS // NW
GSUB = 128
KSUB = 1
G = GSUB * KSUB
NG = ROWS_PER_W // G


def _sc_body(t0, t1, t2, idx0_hbm, idx1_hbm, idx2_hbm, out_hbm, ts0, ts1, ts2, idxv, buf, sem0, sem1, sem2):
    c = lax.axis_index("c")
    s = lax.axis_index("s")
    wid = s * NC + c
    @pl.when(s == 0)
    def _stage():
        pltpu.sync_copy(t0, ts0)
        pltpu.sync_copy(t1, ts1)
        pltpu.sync_copy(t2, ts2)

    plsc.subcore_barrier()
    pltpu.sync_copy(idx0_hbm.at[wid], idxv.at[0])
    pltpu.sync_copy(idx1_hbm.at[wid], idxv.at[1])
    pltpu.sync_copy(idx2_hbm.at[wid], idxv.at[2])
    tabs = (ts0, ts1, ts2)
    sems = (sem0, sem1, sem2)

    def zero(p):
        z = jnp.zeros((16,), jnp.float32)

        def row(r, carry):
            for cc in range(E // 16):
                buf[p, r, pl.ds(cc * 16, 16)] = z
            return carry

        lax.fori_loop(0, G, row, 0)

    def issue(g, p):
        for a in range(A):
            pltpu.async_copy(
                tabs[a].at[idxv.at[a, g, 0]], buf.at[p], sems[p], add=True
            )

    def wait(g, p):
        for a in range(A):
            pltpu.make_async_copy(
                tabs[a].at[idxv.at[a, g, 0]], buf.at[p], sems[p]
            ).wait()

    def out(g, p):
        base = (wid * NG + g) * G
        pltpu.sync_copy(buf.at[p], out_hbm.at[pl.ds(base, G)])

    zero(0)
    zero(1)
    issue(0, 0)
    issue(1, 1)

    def trip(i, carry):
        g0 = 3 * i
        for k in range(3):
            g = g0 + k
            q = (k + 2) % 3
            zero(q)
            issue(g + 2, q)
            wait(g, k)
            out(g, k)
        return carry

    lax.fori_loop(0, (NG - 2) // 3, trip, 0)
    wait(NG - 2, (NG - 2) % 3)
    out(NG - 2, (NG - 2) % 3)
    wait(NG - 1, (NG - 1) % 3)
    out(NG - 1, (NG - 1) % 3)


_mesh = plsc.VectorSubcoreMesh(
    core_axis_name="c", subcore_axis_name="s", num_cores=NC, num_subcores=NSUB
)

_call = functools.partial(
    pl.kernel,
    out_type=jax.ShapeDtypeStruct((NROWS, E), jnp.float32),
    mesh=_mesh,
    scratch_types=[
        pltpu.VMEM_SHARED((1024, E), jnp.float32),
        pltpu.VMEM_SHARED((1024, E), jnp.float32),
        pltpu.VMEM_SHARED((1024, E), jnp.float32),
        pltpu.VMEM((A, NG, KSUB, GSUB), jnp.int32),
        pltpu.VMEM((3, G, E), jnp.float32),
        pltpu.SemaphoreType.DMA,
        pltpu.SemaphoreType.DMA,
        pltpu.SemaphoreType.DMA,
    ],
)(_sc_body)


def kernel(position, table0, table1, table2):
    idxs = [position[:, :, a].reshape(NW, NG, KSUB, GSUB) for a in range(A)]
    out = _call(table0, table1, table2, *idxs)
    return out.reshape(N, S, E)

# --- scband reference (transcript-rebuilt; emitter-appended) ---
"""Pipeline reference for scband-positional-encoding-learned-7576322310485 (READ-ONLY COPY).

The authoritative reference and input builder live on the scoring server;
editing this copy changes nothing except your own understanding.
"""

import jax, jax.numpy as jnp
import numpy as np

EMBED_DIM = 128
RESOLUTION = 512
VOCAB = 2 * RESOLUTION
N, S, A = 1024, 200, 3


def setup_inputs(seed: int = 0) -> dict:
    key = jax.random.key(seed)
    kpos, k0, k1, k2 = jax.random.split(key, 4)
    position = jax.random.randint(kpos, (N, S, A), 0, VOCAB)
    # nn.Embedding default init: N(0, 1); padding_idx=0 row zeroed at init
    table0 = jax.random.normal(k0, (VOCAB, EMBED_DIM), dtype=jnp.float32).at[0].set(0.0)
    table1 = jax.random.normal(k1, (VOCAB, EMBED_DIM), dtype=jnp.float32).at[0].set(0.0)
    table2 = jax.random.normal(k2, (VOCAB, EMBED_DIM), dtype=jnp.float32).at[0].set(0.0)
    return {"position": position, "table0": table0, "table1": table1, "table2": table2}


def reference(position, table0, table1, table2):
    # x starts as zeros [N, S, E], then accumulates per-axis embedding lookups
    x = jnp.zeros((position.shape[0], position.shape[1], EMBED_DIM), dtype=jnp.float32)
    tables = [table0, table1, table2]
    for axis, table in enumerate(tables):
        # enforce padding_idx=0 semantics (row 0 contributes zero)
        t = table.at[0].set(0.0)
        x = x + jnp.take(t, position[:, :, axis], axis=0)
    return x

if __name__ == "__main__":
    import jax
    _d = setup_inputs()
    print(jax.jit(kernel)(*tuple(_d.values())))

</pallas_src>

<mosaic_0001>
#map = affine_map<(d0, d1) -> (0, 0)>
#map1 = affine_map<(d0, d1) -> (0, 0, 0, 0)>
module attributes {stable_mosaic.version = 14 : i64} {
  func.func @_sc_body(%arg0: i32, %arg1: i32, %arg2: memref<1024x128xf32, #tpu.memory_space<hbm>>, %arg3: memref<1024x128xf32, #tpu.memory_space<hbm>>, %arg4: memref<1024x128xf32, #tpu.memory_space<hbm>>, %arg5: memref<32x50x1x128xi32, #tpu.memory_space<hbm>>, %arg6: memref<32x50x1x128xi32, #tpu.memory_space<hbm>>, %arg7: memref<32x50x1x128xi32, #tpu.memory_space<hbm>>, %arg8: memref<204800x128xf32, #tpu.memory_space<hbm>>, %arg9: memref<1024x128xf32, #tpu.memory_space<vmem_shared>>, %arg10: memref<1024x128xf32, #tpu.memory_space<vmem_shared>>, %arg11: memref<1024x128xf32, #tpu.memory_space<vmem_shared>>, %arg12: memref<3x50x1x128xi32, #tpu.memory_space<vmem>>, %arg13: memref<3x128x128xf32, #tpu.memory_space<vmem>>, %arg14: memref<!tpu.dma_semaphore, #tpu.memory_space<semaphore_mem>>, %arg15: memref<!tpu.dma_semaphore, #tpu.memory_space<semaphore_mem>>, %arg16: memref<!tpu.dma_semaphore, #tpu.memory_space<semaphore_mem>>) attributes {dimension_semantics = [#tpu.dimension_semantics<core_parallel>, #tpu.dimension_semantics<subcore_parallel>], iteration_bounds = array<i64: 2, 16>, scalar_prefetch = 0 : i64, scratch_operands = 8 : i64, tpu.core_type = #tpu.core_type<sc_vector_subcore>, window_params = [{transform_indices = #map}, {transform_indices = #map}, {transform_indices = #map}, {transform_indices = #map1}, {transform_indices = #map1}, {transform_indices = #map1}, {transform_indices = #map}]} {
    %mul3A = arith.constant 2 : i32
    %mul3A_0 = arith.muli %arg1, %mul3A : i32
    %add3A = arith.addi %mul3A_0, %arg0 : i32
    %eq3A = arith.constant 0 : i32
    %eq3A_1 = arith.cmpi eq, %arg1, %eq3A : i32
    %convert_element_type3A = arith.extui %eq3A_1 : i1 to i32
    %cond3A = arith.constant 0 : i32
    %cond3A_2 = arith.cmpi ne, %convert_element_type3A, %cond3A : i32
    scf.if %cond3A_2 {
      "tpu.region"() ({
        %run_scoped3A_205 = tpu.sem_alloc : memref<!tpu.dma_semaphore, #tpu.memory_space<semaphore_mem>>
        tpu.enqueue_dma source(%arg2 : memref<1024x128xf32, #tpu.memory_space<hbm>>) target(%arg9 : memref<1024x128xf32, #tpu.memory_space<vmem_shared>>) target_semaphore(%run_scoped3A_205 : memref<!tpu.dma_semaphore, #tpu.memory_space<semaphore_mem>>)
        tpu.wait_dma2 semaphore(%run_scoped3A_205 : memref<!tpu.dma_semaphore, #tpu.memory_space<semaphore_mem>>) src(%arg2 : memref<1024x128xf32, #tpu.memory_space<hbm>>) dst(%arg9 : memref<1024x128xf32, #tpu.memory_space<vmem_shared>>)
        tpu.yield
      }) : () -> ()
      "tpu.region"() ({
        %run_scoped3A_205 = tpu.sem_alloc : memref<!tpu.dma_semaphore, #tpu.memory_space<semaphore_mem>>
        tpu.enqueue_dma source(%arg3 : memref<1024x128xf32, #tpu.memory_space<hbm>>) target(%arg10 : memref<1024x128xf32, #tpu.memory_space<vmem_shared>>) target_semaphore(%run_scoped3A_205 : memref<!tpu.dma_semaphore, #tpu.memory_space<semaphore_mem>>)
        tpu.wait_dma2 semaphore(%run_scoped3A_205 : memref<!tpu.dma_semaphore, #tpu.memory_space<semaphore_mem>>) src(%arg3 : memref<1024x128xf32, #tpu.memory_space<hbm>>) dst(%arg10 : memref<1024x128xf32, #tpu.memory_space<vmem_shared>>)
        tpu.yield
      }) : () -> ()
      "tpu.region"() ({
        %run_scoped3A_205 = tpu.sem_alloc : memref<!tpu.dma_semaphore, #tpu.memory_space<semaphore_mem>>
        tpu.enqueue_dma source(%arg4 : memref<1024x128xf32, #tpu.memory_space<hbm>>) target(%arg11 : memref<1024x128xf32, #tpu.memory_space<vmem_shared>>) target_semaphore(%run_scoped3A_205 : memref<!tpu.dma_semaphore, #tpu.memory_space<semaphore_mem>>)
        tpu.wait_dma2 semaphore(%run_scoped3A_205 : memref<!tpu.dma_semaphore, #tpu.memory_space<semaphore_mem>>) src(%arg4 : memref<1024x128xf32, #tpu.memory_space<hbm>>) dst(%arg11 : memref<1024x128xf32, #tpu.memory_space<vmem_shared>>)
        tpu.yield
      }) : () -> ()
    } else {
    }
    %barrier3A = arith.constant 0 : index
    tpu.barrier barrier_id(%barrier3A)
    %run_scoped3A = arith.constant 0 : i32
    "tpu.region"() ({
      %run_scoped3A_205 = tpu.sem_alloc : memref<!tpu.dma_semaphore, #tpu.memory_space<semaphore_mem>>
      %dma_start3A_206 = arith.constant 0 : i32
      %dma_start3A_207 = arith.constant 0 : i32
      %dma_start3A_208 = arith.constant 0 : i32
      %dma_start3A_209 = tpu.memref_slice %arg12[%run_scoped3A, %dma_start3A_206, %dma_start3A_207, %dma_start3A_208] : memref<3x50x1x128xi32, #tpu.memory_space<vmem>> -> memref<1x50x1x128xi32, #tpu.memory_space<vmem>>
      %dma_start3A_210 = tpu.memref_squeeze %dma_start3A_209 : memref<1x50x1x128xi32, #tpu.memory_space<vmem>> -> memref<50x1x128xi32, #tpu.memory_space<vmem>>
      %dma_start3A_211 = arith.constant 0 : i32
      %dma_start3A_212 = arith.constant 0 : i32
      %dma_start3A_213 = arith.constant 0 : i32
      %dma_start3A_214 = tpu.memref_slice %arg5[%add3A, %dma_start3A_211, %dma_start3A_212, %dma_start3A_213] : memref<32x50x1x128xi32, #tpu.memory_space<hbm>> -> memref<1x50x1x128xi32, #tpu.memory_space<hbm>>
      %dma_start3A_215 = tpu.memref_squeeze %dma_start3A_214 : memref<1x50x1x128xi32, #tpu.memory_space<hbm>> -> memref<50x1x128xi32, #tpu.memory_space<hbm>>
      %dma_start3A_216 = arith.constant 0 : i32
      %dma_start3A_217 = arith.constant 0 : i32
      %dma_start3A_218 = arith.constant 0 : i32
      %dma_start3A_219 = tpu.memref_slice %arg12[%run_scoped3A, %dma_start3A_216, %dma_start3A_217, %dma_start3A_218] : memref<3x50x1x128xi32, #tpu.memory_space<vmem>> -> memref<1x50x1x128xi32, #tpu.memory_space<vmem>>
      %dma_start3A_220 = tpu.memref_squeeze %dma_start3A_219 : memref<1x50x1x128xi32, #tpu.memory_space<vmem>> -> memref<50x1x128xi32, #tpu.memory_space<vmem>>
      %dma_start3A_221 = arith.constant 0 : i32
      %dma_start3A_222 = arith.constant 0 : i32
      %dma_start3A_223 = arith.constant 0 : i32
      %dma_start3A_224 = tpu.memref_slice %arg5[%add3A, %dma_start3A_221, %dma_start3A_222, %dma_start3A_223] : memref<32x50x1x128xi32, #tpu.memory_space<hbm>> -> memref<1x50x1x128xi32, #tpu.memory_space<hbm>>
      %dma_start3A_225 = tpu.memref_squeeze %dma_start3A_224 : memref<1x50x1x128xi32, #tpu.memory_space<hbm>> -> memref<50x1x128xi32, #tpu.memory_space<hbm>>
      tpu.enqueue_dma source(%dma_start3A_225 : memref<50x1x128xi32, #tpu.memory_space<hbm>>) target(%dma_start3A_220 : memref<50x1x128xi32, #tpu.memory_space<vmem>>) target_semaphore(%run_scoped3A_205 : memref<!tpu.dma_semaphore, #tpu.memory_space<semaphore_mem>>)
      %dma_wait3A_226 = arith.constant 0 : i32
      %dma_wait3A_227 = arith.constant 0 : i32
      %dma_wait3A_228 = arith.constant 0 : i32
      %dma_wait3A_229 = tpu.memref_slice %arg12[%run_scoped3A, %dma_wait3A_226, %dma_wait3A_227, %dma_wait3A_228] : memref<3x50x1x128xi32, #tpu.memory_space<vmem>> -> memref<1x50x1x128xi32, #tpu.memory_space<vmem>>
      %dma_wait3A_230 = tpu.memref_squeeze %dma_wait3A_229 : memref<1x50x1x128xi32, #tpu.memory_space<vmem>> -> memref<50x1x128xi32, #tpu.memory_space<vmem>>
      %dma_wait3A_231 = arith.constant 0 : i32
      %dma_wait3A_232 = arith.constant 0 : i32
      %dma_wait3A_233 = arith.constant 0 : i32
      %dma_wait3A_234 = tpu.memref_slice %arg5[%add3A, %dma_wait3A_231, %dma_wait3A_232, %dma_wait3A_233] : memref<32x50x1x128xi32, #tpu.memory_space<hbm>> -> memref<1x50x1x128xi32, #tpu.memory_space<hbm>>
      %dma_wait3A_235 = tpu.memref_squeeze %dma_wait3A_234 : memref<1x50x1x128xi32, #tpu.memory_space<hbm>> -> memref<50x1x128xi32, #tpu.memory_space<hbm>>
      %dma_wait3A_236 = arith.constant 0 : i32
      %dma_wait3A_237 = arith.constant 0 : i32
      %dma_wait3A_238 = arith.constant 0 : i32
      %dma_wait3A_239 = tpu.memref_slice %arg12[%run_scoped3A, %dma_wait3A_236, %dma_wait3A_237, %dma_wait3A_238] : memref<3x50x1x128xi32, #tpu.memory_space<vmem>> -> memref<1x50x1x128xi32, #tpu.memory_space<vmem>>
      %dma_wait3A_240 = tpu.memref_squeeze %dma_wait3A_239 : memref<1x50x1x128xi32, #tpu.memory_space<vmem>> -> memref<50x1x128xi32, #tpu.memory_space<vmem>>
      %dma_wait3A_241 = arith.constant 0 : i32
      %dma_wait3A_242 = arith.constant 0 : i32
      %dma_wait3A_243 = arith.constant 0 : i32
      %dma_wait3A_244 = tpu.memref_slice %arg5[%add3A, %dma_wait3A_241, %dma_wait3A_242, %dma_wait3A_243] : memref<32x50x1x128xi32, #tpu.memory_space<hbm>> -> memref<1x50x1x128xi32, #tpu.memory_space<hbm>>
      %dma_wait3A_245 = tpu.memref_squeeze %dma_wait3A_244 : memref<1x50x1x128xi32, #tpu.memory_space<hbm>> -> memref<50x1x128xi32, #tpu.memory_space<hbm>>
      tpu.wait_dma2 semaphore(%run_scoped3A_205 : memref<!tpu.dma_semaphore, #tpu.memory_space<semaphore_mem>>) src(%dma_wait3A_245 : memref<50x1x128xi32, #tpu.memory_space<hbm>>) dst(%dma_wait3A_240 : memref<50x1x128xi32, #tpu.memory_space<vmem>>)
      tpu.yield
    }) : () -> ()
    %run_scoped3A_3 = arith.constant 1 : i32
    "tpu.region"() ({
      %run_scoped3A_205 = tpu.sem_alloc : memref<!tpu.dma_semaphore, #tpu.memory_space<semaphore_mem>>
      %dma_start3A_206 = arith.constant 0 : i32
      %dma_start3A_207 = arith.constant 0 : i32
      %dma_start3A_208 = arith.constant 0 : i32
      %dma_start3A_209 = tpu.memref_slice %arg12[%run_scoped3A_3, %dma_start3A_206, %dma_start3A_207, %dma_start3A_208] : memref<3x50x1x128xi32, #tpu.memory_space<vmem>> -> memref<1x50x1x128xi32, #tpu.memory_space<vmem>>
      %dma_start3A_210 = tpu.memref_squeeze %dma_start3A_209 : memref<1x50x1x128xi32, #tpu.memory_space<vmem>> -> memref<50x1x128xi32, #tpu.memory_space<vmem>>
      %dma_start3A_211 = arith.constant 0 : i32
      %dma_start3A_212 = arith.constant 0 : i32
      %dma_start3A_213 = arith.constant 0 : i32
      %dma_start3A_214 = tpu.memref_slice %arg6[%add3A, %dma_start3A_211, %dma_start3A_212, %dma_start3A_213] : memref<32x50x1x128xi32, #tpu.memory_space<hbm>> -> memref<1x50x1x128xi32, #tpu.memory_space<hbm>>
      %dma_start3A_215 = tpu.memref_squeeze %dma_start3A_214 : memref<1x50x1x128xi32, #tpu.memory_space<hbm>> -> memref<50x1x128xi32, #tpu.memory_space<hbm>>
      %dma_start3A_216 = arith.constant 0 : i32
      %dma_start3A_217 = arith.constant 0 : i32
      %dma_start3A_218 = arith.constant 0 : i32
      %dma_start3A_219 = tpu.memref_slice %arg12[%run_scoped3A_3, %dma_start3A_216, %dma_start3A_217, %dma_start3A_218] : memref<3x50x1x128xi32, #tpu.memory_space<vmem>> -> memref<1x50x1x128xi32, #tpu.memory_space<vmem>>
      %dma_start3A_220 = tpu.memref_squeeze %dma_start3A_219 : memref<1x50x1x128xi32, #tpu.memory_space<vmem>> -> memref<50x1x128xi32, #tpu.memory_space<vmem>>
      %dma_start3A_221 = arith.constant 0 : i32
      %dma_start3A_222 = arith.constant 0 : i32
      %dma_start3A_223 = arith.constant 0 : i32
      %dma_start3A_224 = tpu.memref_slice %arg6[%add3A, %dma_start3A_221, %dma_start3A_222, %dma_start3A_223] : memref<32x50x1x128xi32, #tpu.memory_space<hbm>> -> memref<1x50x1x128xi32, #tpu.memory_space<hbm>>
      %dma_start3A_225 = tpu.memref_squeeze %dma_start3A_224 : memref<1x50x1x128xi32, #tpu.memory_space<hbm>> -> memref<50x1x128xi32, #tpu.memory_space<hbm>>
      tpu.enqueue_dma source(%dma_start3A_225 : memref<50x1x128xi32, #tpu.memory_space<hbm>>) target(%dma_start3A_220 : memref<50x1x128xi32, #tpu.memory_space<vmem>>) target_semaphore(%run_scoped3A_205 : memref<!tpu.dma_semaphore, #tpu.memory_space<semaphore_mem>>)
      %dma_wait3A_226 = arith.constant 0 : i32
      %dma_wait3A_227 = arith.constant 0 : i32
      %dma_wait3A_228 = arith.constant 0 : i32
      %dma_wait3A_229 = tpu.memref_slice %arg12[%run_scoped3A_3, %dma_wait3A_226, %dma_wait3A_227, %dma_wait3A_228] : memref<3x50x1x128xi32, #tpu.memory_space<vmem>> -> memref<1x50x1x128xi32, #tpu.memory_space<vmem>>
      %dma_wait3A_230 = tpu.memref_squeeze %dma_wait3A_229 : memref<1x50x1x128xi32, #tpu.memory_space<vmem>> -> memref<50x1x128xi32, #tpu.memory_space<vmem>>
      %dma_wait3A_231 = arith.constant 0 : i32
      %dma_wait3A_232 = arith.constant 0 : i32
      %dma_wait3A_233 = arith.constant 0 : i32
      %dma_wait3A_234 = tpu.memref_slice %arg6[%add3A, %dma_wait3A_231, %dma_wait3A_232, %dma_wait3A_233] : memref<32x50x1x128xi32, #tpu.memory_space<hbm>> -> memref<1x50x1x128xi32, #tpu.memory_space<hbm>>
      %dma_wait3A_235 = tpu.memref_squeeze %dma_wait3A_234 : memref<1x50x1x128xi32, #tpu.memory_space<hbm>> -> memref<50x1x128xi32, #tpu.memory_space<hbm>>
      %dma_wait3A_236 = arith.constant 0 : i32
      %dma_wait3A_237 = arith.constant 0 : i32
      %dma_wait3A_238 = arith.constant 0 : i32
      %dma_wait3A_239 = tpu.memref_slice %arg12[%run_scoped3A_3, %dma_wait3A_236, %dma_wait3A_237, %dma_wait3A_238] : memref<3x50x1x128xi32, #tpu.memory_space<vmem>> -> memref<1x50x1x128xi32, #tpu.memory_space<vmem>>
      %dma_wait3A_240 = tpu.memref_squeeze %dma_wait3A_239 : memref<1x50x1x128xi32, #tpu.memory_space<vmem>> -> memref<50x1x128xi32, #tpu.memory_space<vmem>>
      %dma_wait3A_241 = arith.constant 0 : i32
      %dma_wait3A_242 = arith.constant 0 : i32
      %dma_wait3A_243 = arith.constant 0 : i32
      %dma_wait3A_244 = tpu.memref_slice %arg6[%add3A, %dma_wait3A_241, %dma_wait3A_242, %dma_wait3A_243] : memref<32x50x1x128xi32, #tpu.memory_space<hbm>> -> memref<1x50x1x128xi32, #tpu.memory_space<hbm>>
      %dma_wait3A_245 = tpu.memref_squeeze %dma_wait3A_244 : memref<1x50x1x128xi32, #tpu.memory_space<hbm>> -> memref<50x1x128xi32, #tpu.memory_space<hbm>>
      tpu.wait_dma2 semaphore(%run_scoped3A_205 : memref<!tpu.dma_semaphore, #tpu.memory_space<semaphore_mem>>) src(%dma_wait3A_245 : memref<50x1x128xi32, #tpu.memory_space<hbm>>) dst(%dma_wait3A_240 : memref<50x1x128xi32, #tpu.memory_space<vmem>>)
      tpu.yield
    }) : () -> ()
    %run_scoped3A_4 = arith.constant 2 : i32
    "tpu.region"() ({
      %run_scoped3A_205 = tpu.sem_alloc : memref<!tpu.dma_semaphore, #tpu.memory_space<semaphore_mem>>
      %dma_start3A_206 = arith.constant 0 : i32
      %dma_start3A_207 = arith.constant 0 : i32
      %dma_start3A_208 = arith.constant 0 : i32
      %dma_start3A_209 = tpu.memref_slice %arg12[%run_scoped3A_4, %dma_start3A_206, %dma_start3A_207, %dma_start3A_208] : memref<3x50x1x128xi32, #tpu.memory_space<vmem>> -> memref<1x50x1x128xi32, #tpu.memory_space<vmem>>
      %dma_start3A_210 = tpu.memref_squeeze %dma_start3A_209 : memref<1x50x1x128xi32, #tpu.memory_space<vmem>> -> memref<50x1x128xi32, #tpu.memory_space<vmem>>
      %dma_start3A_211 = arith.constant 0 : i32
      %dma_start3A_212 = arith.constant 0 : i32
      %dma_start3A_213 = arith.constant 0 : i32
      %dma_start3A_214 = tpu.memref_slice %arg7[%add3A, %dma_start3A_211, %dma_start3A_212, %dma_start3A_213] : memref<32x50x1x128xi32, #tpu.memory_space<hbm>> -> memref<1x50x1x128xi32, #tpu.memory_space<hbm>>
      %dma_start3A_215 = tpu.memref_squeeze %dma_start3A_214 : memref<1x50x1x128xi32, #tpu.memory_space<hbm>> -> memref<50x1x128xi32, #tpu.memory_space<hbm>>
      %dma_start3A_216 = arith.constant 0 : i32
      %dma_start3A_217 = arith.constant 0 : i32
      %dma_start3A_218 = arith.constant 0 : i32
      %dma_start3A_219 = tpu.memref_slice %arg12[%run_scoped3A_4, %dma_start3A_216, %dma_start3A_217, %dma_start3A_218] : memref<3x50x1x128xi32, #tpu.memory_space<vmem>> -> memref<1x50x1x128xi32, #tpu.memory_space<vmem>>
      %dma_start3A_220 = tpu.memref_squeeze %dma_start3A_219 : memref<1x50x1x128xi32, #tpu.memory_space<vmem>> -> memref<50x1x128xi32, #tpu.memory_space<vmem>>
      %dma_start3A_221 = arith.constant 0 : i32
      %dma_start3A_222 = arith.constant 0 : i32
      %dma_start3A_223 = arith.constant 0 : i32
      %dma_start3A_224 = tpu.memref_slice %arg7[%add3A, %dma_start3A_221, %dma_start3A_222, %dma_start3A_223] : memref<32x50x1x128xi32, #tpu.memory_space<hbm>> -> memref<1x50x1x128xi32, #tpu.memory_space<hbm>>
      %dma_start3A_225 = tpu.memref_squeeze %dma_start3A_224 : memref<1x50x1x128xi32, #tpu.memory_space<hbm>> -> memref<50x1x128xi32, #tpu.memory_space<hbm>>
      tpu.enqueue_dma source(%dma_start3A_225 : memref<50x1x128xi32, #tpu.memory_space<hbm>>) target(%dma_start3A_220 : memref<50x1x128xi32, #tpu.memory_space<vmem>>) target_semaphore(%run_scoped3A_205 : memref<!tpu.dma_semaphore, #tpu.memory_space<semaphore_mem>>)
      %dma_wait3A_226 = arith.constant 0 : i32
      %dma_wait3A_227 = arith.constant 0 : i32
      %dma_wait3A_228 = arith.constant 0 : i32
      %dma_wait3A_229 = tpu.memref_slice %arg12[%run_scoped3A_4, %dma_wait3A_226, %dma_wait3A_227, %dma_wait3A_228] : memref<3x50x1x128xi32, #tpu.memory_space<vmem>> -> memref<1x50x1x128xi32, #tpu.memory_space<vmem>>
      %dma_wait3A_230 = tpu.memref_squeeze %dma_wait3A_229 : memref<1x50x1x128xi32, #tpu.memory_space<vmem>> -> memref<50x1x128xi32, #tpu.memory_space<vmem>>
      %dma_wait3A_231 = arith.constant 0 : i32
      %dma_wait3A_232 = arith.constant 0 : i32
      %dma_wait3A_233 = arith.constant 0 : i32
      %dma_wait3A_234 = tpu.memref_slice %arg7[%add3A, %dma_wait3A_231, %dma_wait3A_232, %dma_wait3A_233] : memref<32x50x1x128xi32, #tpu.memory_space<hbm>> -> memref<1x50x1x128xi32, #tpu.memory_space<hbm>>
      %dma_wait3A_235 = tpu.memref_squeeze %dma_wait3A_234 : memref<1x50x1x128xi32, #tpu.memory_space<hbm>> -> memref<50x1x128xi32, #tpu.memory_space<hbm>>
      %dma_wait3A_236 = arith.constant 0 : i32
      %dma_wait3A_237 = arith.constant 0 : i32
      %dma_wait3A_238 = arith.constant 0 : i32
      %dma_wait3A_239 = tpu.memref_slice %arg12[%run_scoped3A_4, %dma_wait3A_236, %dma_wait3A_237, %dma_wait3A_238] : memref<3x50x1x128xi32, #tpu.memory_space<vmem>> -> memref<1x50x1x128xi32, #tpu.memory_space<vmem>>
      %dma_wait3A_240 = tpu.memref_squeeze %dma_wait3A_239 : memref<1x50x1x128xi32, #tpu.memory_space<vmem>> -> memref<50x1x128xi32, #tpu.memory_space<vmem>>
      %dma_wait3A_241 = arith.constant 0 : i32
      %dma_wait3A_242 = arith.constant 0 : i32
      %dma_wait3A_243 = arith.constant 0 : i32
      %dma_wait3A_244 = tpu.memref_slice %arg7[%add3A, %dma_wait3A_241, %dma_wait3A_242, %dma_wait3A_243] : memref<32x50x1x128xi32, #tpu.memory_space<hbm>> -> memref<1x50x1x128xi32, #tpu.memory_space<hbm>>
      %dma_wait3A_245 = tpu.memref_squeeze %dma_wait3A_244 : memref<1x50x1x128xi32, #tpu.memory_space<hbm>> -> memref<50x1x128xi32, #tpu.memory_space<hbm>>
      tpu.wait_dma2 semaphore(%run_scoped3A_205 : memref<!tpu.dma_semaphore, #tpu.memory_space<semaphore_mem>>) src(%dma_wait3A_245 : memref<50x1x128xi32, #tpu.memory_space<hbm>>) dst(%dma_wait3A_240 : memref<50x1x128xi32, #tpu.memory_space<vmem>>)
      tpu.yield
    }) : () -> ()
    %broadcast_in_dim3A = arith.constant 0.000000e+00 : f32
    %broadcast_in_dim3A_5 = vector.broadcast %broadcast_in_dim3A : f32 to vector<16xf32>
    %scan3A = arith.constant 0 : i32
    %scan3A_6 = arith.constant 0 : i32
    %scan3A_7 = arith.constant 128 : i32
    %scan3A_8 = arith.addi %scan3A_6, %scan3A_7 : i32
    %scan3A_9 = arith.constant 1 : i32
    scf.for %scan3A_205 = %scan3A_6 to %scan3A_8 step %scan3A_9  : i32 {
      %swap3A = arith.constant 0 : i32
      %swap3A_206 = arith.index_cast %swap3A : i32 to index
      %swap3A_207 = arith.index_cast %scan3A_205 : i32 to index
      %swap3A_208 = arith.constant 0 : index
      %swap3A_209 = tpu.vector_load %arg13[%swap3A_206, %swap3A_207, %swap3A_208] {strides = array<i32>} : memref<3x128x128xf32, #tpu.memory_space<vmem>>, vector<1x1x16xf32>,
      %swap3A_210 = vector.shape_cast %swap3A_209 : vector<1x1x16xf32> to vector<16xf32>
      %swap3A_211 = vector.shape_cast %broadcast_in_dim3A_5 : vector<16xf32> to vector<1x1x16xf32>
      tpu.vector_store %arg13[%swap3A_206, %swap3A_207, %swap3A_208], %swap3A_211 {strides = array<i32>} : memref<3x128x128xf32, #tpu.memory_space<vmem>>, vector<1x1x16xf32>,
      %swap3A_212 = arith.constant 0 : i32
      %swap3A_213 = arith.index_cast %swap3A_212 : i32 to index
      %swap3A_214 = arith.index_cast %scan3A_205 : i32 to index
      %swap3A_215 = arith.constant 16 : index
      %swap3A_216 = tpu.vector_load %arg13[%swap3A_213, %swap3A_214, %swap3A_215] {strides = array<i32>} : memref<3x128x128xf32, #tpu.memory_space<vmem>>, vector<1x1x16xf32>,
      %swap3A_217 = vector.shape_cast %swap3A_216 : vector<1x1x16xf32> to vector<16xf32>
      %swap3A_218 = vector.shape_cast %broadcast_in_dim3A_5 : vector<16xf32> to vector<1x1x16xf32>
      tpu.vector_store %arg13[%swap3A_213, %swap3A_214, %swap3A_215], %swap3A_218 {strides = array<i32>} : memref<3x128x128xf32, #tpu.memory_space<vmem>>, vector<1x1x16xf32>,
      %swap3A_219 = arith.constant 0 : i32
      %swap3A_220 = arith.index_cast %swap3A_219 : i32 to index
      %swap3A_221 = arith.index_cast %scan3A_205 : i32 to index
      %swap3A_222 = arith.constant 32 : index
      %swap3A_223 = tpu.vector_load %arg13[%swap3A_220, %swap3A_221, %swap3A_222] {strides = array<i32>} : memref<3x128x128xf32, #tpu.memory_space<vmem>>, vector<1x1x16xf32>,
      %swap3A_224 = vector.shape_cast %swap3A_223 : vector<1x1x16xf32> to vector<16xf32>
      %swap3A_225 = vector.shape_cast %broadcast_in_dim3A_5 : vector<16xf32> to vector<1x1x16xf32>
      tpu.vector_store %arg13[%swap3A_220, %swap3A_221, %swap3A_222], %swap3A_225 {strides = array<i32>} : memref<3x128x128xf32, #tpu.memory_space<vmem>>, vector<1x1x16xf32>,
      %swap3A_226 = arith.constant 0 : i32
      %swap3A_227 = arith.index_cast %swap3A_226 : i32 to index
      %swap3A_228 = arith.index_cast %scan3A_205 : i32 to index
      %swap3A_229 = arith.constant 48 : index
      %swap3A_230 = tpu.vector_load %arg13[%swap3A_227, %swap3A_228, %swap3A_229] {strides = array<i32>} : memref<3x128x128xf32, #tpu.memory_space<vmem>>, vector<1x1x16xf32>,
      %swap3A_231 = vector.shape_cast %swap3A_230 : vector<1x1x16xf32> to vector<16xf32>
      %swap3A_232 = vector.shape_cast %broadcast_in_dim3A_5 : vector<16xf32> to vector<1x1x16xf32>
      tpu.vector_store %arg13[%swap3A_227, %swap3A_228, %swap3A_229], %swap3A_232 {strides = array<i32>} : memref<3x128x128xf32, #tpu.memory_space<vmem>>, vector<1x1x16xf32>,
      %swap3A_233 = arith.constant 0 : i32
      %swap3A_234 = arith.index_cast %swap3A_233 : i32 to index
      %swap3A_235 = arith.index_cast %scan3A_205 : i32 to index
      %swap3A_236 = arith.constant 64 : index
      %swap3A_237 = tpu.vector_load %arg13[%swap3A_234, %swap3A_235, %swap3A_236] {strides = array<i32>} : memref<3x128x128xf32, #tpu.memory_space<vmem>>, vector<1x1x16xf32>,
      %swap3A_238 = vector.shape_cast %swap3A_237 : vector<1x1x16xf32> to vector<16xf32>
      %swap3A_239 = vector.shape_cast %broadcast_in_dim3A_5 : vector<16xf32> to vector<1x1x16xf32>
      tpu.vector_store %arg13[%swap3A_234, %swap3A_235, %swap3A_236], %swap3A_239 {strides = array<i32>} : memref<3x128x128xf32, #tpu.memory_space<vmem>>, vector<1x1x16xf32>,
      %swap3A_240 = arith.constant 0 : i32
      %swap3A_241 = arith.index_cast %swap3A_240 : i32 to index
      %swap3A_242 = arith.index_cast %scan3A_205 : i32 to index
      %swap3A_243 = arith.constant 80 : index
      %swap3A_244 = tpu.vector_load %arg13[%swap3A_241, %swap3A_242, %swap3A_243] {strides = array<i32>} : memref<3x128x128xf32, #tpu.memory_space<vmem>>, vector<1x1x16xf32>,
      %swap3A_245 = vector.shape_cast %swap3A_244 : vector<1x1x16xf32> to vector<16xf32>
      %swap3A_246 = vector.shape_cast %broadcast_in_dim3A_5 : vector<16xf32> to vector<1x1x16xf32>
      tpu.vector_store %arg13[%swap3A_241, %swap3A_242, %swap3A_243], %swap3A_246 {strides = array<i32>} : memref<3x128x128xf32, #tpu.memory_space<vmem>>, vector<1x1x16xf32>,
      %swap3A_247 = arith.constant 0 : i32
      %swap3A_248 = arith.index_cast %swap3A_247 : i32 to index
      %swap3A_249 = arith.index_cast %scan3A_205 : i32 to index
      %swap3A_250 = arith.constant 96 : index
      %swap3A_251 = tpu.vector_load %arg13[%swap3A_248, %swap3A_249, %swap3A_250] {strides = array<i32>} : memref<3x128x128xf32, #tpu.memory_space<vmem>>, vector<1x1x16xf32>,
      %swap3A_252 = vector.shape_cast %swap3A_251 : vector<1x1x16xf32> to vector<16xf32>
      %swap3A_253 = vector.shape_cast %broadcast_in_dim3A_5 : vector<16xf32> to vector<1x1x16xf32>
      tpu.vector_store %arg13[%swap3A_248, %swap3A_249, %swap3A_250], %swap3A_253 {strides = array<i32>} : memref<3x128x128xf32, #tpu.memory_space<vmem>>, vector<1x1x16xf32>,
      %swap3A_254 = arith.constant 0 : i32
      %swap3A_255 = arith.index_cast %swap3A_254 : i32 to index
      %swap3A_256 = arith.index_cast %scan3A_205 : i32 to index
      %swap3A_257 = arith.constant 112 : index
      %swap3A_258 = tpu.vector_load %arg13[%swap3A_255, %swap3A_256, %swap3A_257] {strides = array<i32>} : memref<3x128x128xf32, #tpu.memory_space<vmem>>, vector<1x1x16xf32>,
      %swap3A_259 = vector.shape_cast %swap3A_258 : vector<1x1x16xf32> to vector<16xf32>
      %swap3A_260 = vector.shape_cast %broadcast_in_dim3A_5 : vector<16xf32> to vector<1x1x16xf32>
      tpu.vector_store %arg13[%swap3A_255, %swap3A_256, %swap3A_257], %swap3A_260 {strides = array<i32>} : memref<3x128x128xf32, #tpu.memory_space<vmem>>, vector<1x1x16xf32>,
    }
    %scan3A_10 = arith.constant 128 : i32
    %broadcast_in_dim3A_11 = arith.constant 0.000000e+00 : f32
    %broadcast_in_dim3A_12 = vector.broadcast %broadcast_in_dim3A_11 : f32 to vector<16xf32>
    %scan3A_13 = arith.constant 0 : i32
    %scan3A_14 = arith.constant 0 : i32
    %scan3A_15 = arith.constant 128 : i32
    %scan3A_16 = arith.addi %scan3A_14, %scan3A_15 : i32
    %scan3A_17 = arith.constant 1 : i32
    scf.for %scan3A_205 = %scan3A_14 to %scan3A_16 step %scan3A_17  : i32 {
      %swap3A = arith.constant 1 : i32
      %swap3A_206 = arith.index_cast %swap3A : i32 to index
      %swap3A_207 = arith.index_cast %scan3A_205 : i32 to index
      %swap3A_208 = arith.constant 0 : index
      %swap3A_209 = tpu.vector_load %arg13[%swap3A_206, %swap3A_207, %swap3A_208] {strides = array<i32>} : memref<3x128x128xf32, #tpu.memory_space<vmem>>, vector<1x1x16xf32>,
      %swap3A_210 = vector.shape_cast %swap3A_209 : vector<1x1x16xf32> to vector<16xf32>
      %swap3A_211 = vector.shape_cast %broadcast_in_dim3A_12 : vector<16xf32> to vector<1x1x16xf32>
      tpu.vector_store %arg13[%swap3A_206, %swap3A_207, %swap3A_208], %swap3A_211 {strides = array<i32>} : memref<3x128x128xf32, #tpu.memory_space<vmem>>, vector<1x1x16xf32>,
      %swap3A_212 = arith.constant 1 : i32
      %swap3A_213 = arith.index_cast %swap3A_212 : i32 to index
      %swap3A_214 = arith.index_cast %scan3A_205 : i32 to index
      %swap3A_215 = arith.constant 16 : index
      %swap3A_216 = tpu.vector_load %arg13[%swap3A_213, %swap3A_214, %swap3A_215] {strides = array<i32>} : memref<3x128x128xf32, #tpu.memory_space<vmem>>, vector<1x1x16xf32>,
      %swap3A_217 = vector.shape_cast %swap3A_216 : vector<1x1x16xf32> to vector<16xf32>
      %swap3A_218 = vector.shape_cast %broadcast_in_dim3A_12 : vector<16xf32> to vector<1x1x16xf32>
      tpu.vector_store %arg13[%swap3A_213, %swap3A_214, %swap3A_215], %swap3A_218 {strides = array<i32>} : memref<3x128x128xf32, #tpu.memory_space<vmem>>, vector<1x1x16xf32>,
      %swap3A_219 = arith.constant 1 : i32
      %swap3A_220 = arith.index_cast %swap3A_219 : i32 to index
      %swap3A_221 = arith.index_cast %scan3A_205 : i32 to index
      %swap3A_222 = arith.constant 32 : index
      %swap3A_223 = tpu.vector_load %arg13[%swap3A_220, %swap3A_221, %swap3A_222] {strides = array<i32>} : memref<3x128x128xf32, #tpu.memory_space<vmem>>, vector<1x1x16xf32>,
      %swap3A_224 = vector.shape_cast %swap3A_223 : vector<1x1x16xf32> to vector<16xf32>
      %swap3A_225 = vector.shape_cast %broadcast_in_dim3A_12 : vector<16xf32> to vector<1x1x16xf32>
      tpu.vector_store %arg13[%swap3A_220, %swap3A_221, %swap3A_222], %swap3A_225 {strides = array<i32>} : memref<3x128x128xf32, #tpu.memory_space<vmem>>, vector<1x1x16xf32>,
      %swap3A_226 = arith.constant 1 : i32
      %swap3A_227 = arith.index_cast %swap3A_226 : i32 to index
      %swap3A_228 = arith.index_cast %scan3A_205 : i32 to index
      %swap3A_229 = arith.constant 48 : index
      %swap3A_230 = tpu.vector_load %arg13[%swap3A_227, %swap3A_228, %swap3A_229] {strides = array<i32>} : memref<3x128x128xf32, #tpu.memory_space<vmem>>, vector<1x1x16xf32>,
      %swap3A_231 = vector.shape_cast %swap3A_230 : vector<1x1x16xf32> to vector<16xf32>
      %swap3A_232 = vector.shape_cast %broadcast_in_dim3A_12 : vector<16xf32> to vector<1x1x16xf32>
      tpu.vector_store %arg13[%swap3A_227, %swap3A_228, %swap3A_229], %swap3A_232 {strides = array<i32>} : memref<3x128x128xf32, #tpu.memory_space<vmem>>, vector<1x1x16xf32>,
      %swap3A_233 = arith.constant 1 : i32
      %swap3A_234 = arith.index_cast %swap3A_233 : i32 to index
      %swap3A_235 = arith.index_cast %scan3A_205 : i32 to index
      %swap3A_236 = arith.constant 64 : index
      %swap3A_237 = tpu.vector_load %arg13[%swap3A_234, %swap3A_235, %swap3A_236] {strides = array<i32>} : memref<3x128x128xf32, #tpu.memory_space<vmem>>, vector<1x1x16xf32>,
      %swap3A_238 = vector.shape_cast %swap3A_237 : vector<1x1x16xf32> to vector<16xf32>
      %swap3A_239 = vector.shape_cast %broadcast_in_dim3A_12 : vector<16xf32> to vector<1x1x16xf32>
      tpu.vector_store %arg13[%swap3A_234, %swap3A_235, %swap3A_236], %swap3A_239 {strides = array<i32>} : memref<3x128x128xf32, #tpu.memory_space<vmem>>, vector<1x1x16xf32>,
      %swap3A_240 = arith.constant 1 : i32
      %swap3A_241 = arith.index_cast %swap3A_240 : i32 to index
      %swap3A_242 = arith.index_cast %scan3A_205 : i32 to index
      %swap3A_243 = arith.constant 80 : index
      %swap3A_244 = tpu.vector_load %arg13[%swap3A_241, %swap3A_242, %swap3A_243] {strides = array<i32>} : memref<3x128x128xf32, #tpu.memory_space<vmem>>, vector<1x1x16xf32>,
      %swap3A_245 = vector.shape_cast %swap3A_244 : vector<1x1x16xf32> to vector<16xf32>
      %swap3A_246 = vector.shape_cast %broadcast_in_dim3A_12 : vector<16xf32> to vector<1x1x16xf32>
      tpu.vector_store %arg13[%swap3A_241, %swap3A_242, %swap3A_243], %swap3A_246 {strides = array<i32>} : memref<3x128x128xf32, #tpu.memory_space<vmem>>, vector<1x1x16xf32>,
      %swap3A_247 = arith.constant 1 : i32
      %swap3A_248 = arith.index_cast %swap3A_247 : i32 to index
      %swap3A_249 = arith.index_cast %scan3A_205 : i32 to index
      %swap3A_250 = arith.constant 96 : index
      %swap3A_251 = tpu.vector_load %arg13[%swap3A_248, %swap3A_249, %swap3A_250] {strides = array<i32>} : memref<3x128x128xf32, #tpu.memory_space<vmem>>, vector<1x1x16xf32>,
      %swap3A_252 = vector.shape_cast %swap3A_251 : vector<1x1x16xf32> to vector<16xf32>
      %swap3A_253 = vector.shape_cast %broadcast_in_dim3A_12 : vector<16xf32> to vector<1x1x16xf32>
      tpu.vector_store %arg13[%swap3A_248, %swap3A_249, %swap3A_250], %swap3A_253 {strides = array<i32>} : memref<3x128x128xf32, #tpu.memory_space<vmem>>, vector<1x1x16xf32>,
      %swap3A_254 = arith.constant 1 : i32
      %swap3A_255 = arith.index_cast %swap3A_254 : i32 to index
      %swap3A_256 = arith.index_cast %scan3A_205 : i32 to index
      %swap3A_257 = arith.constant 112 : index
      %swap3A_258 = tpu.vector_load %arg13[%swap3A_255, %swap3A_256, %swap3A_257] {strides = array<i32>} : memref<3x128x128xf32, #tpu.memory_space<vmem>>, vector<1x1x16xf32>,
      %swap3A_259 = vector.shape_cast %swap3A_258 : vector<1x1x16xf32> to vector<16xf32>
      %swap3A_260 = vector.shape_cast %broadcast_in_dim3A_12 : vector<16xf32> to vector<1x1x16xf32>
      tpu.vector_store %arg13[%swap3A_255, %swap3A_256, %swap3A_257], %swap3A_260 {strides = array<i32>} : memref<3x128x128xf32, #tpu.memory_space<vmem>>, vector<1x1x16xf32>,
    }
    %scan3A_18 = arith.constant 128 : i32
    %dma_start3A = arith.constant 0 : i32
    %dma_start3A_19 = arith.constant 0 : i32
    %dma_start3A_20 = arith.constant 0 : i32
    %dma_start3A_21 = arith.constant 0 : i32
    %dma_start3A_22 = arith.constant 0 : i32
    %dma_start3A_23 = arith.constant 0 : i32
    %dma_start3A_24 = tpu.memref_slice %arg13[%dma_start3A_21, %dma_start3A_22, %dma_start3A_23] : memref<3x128x128xf32, #tpu.memory_space<vmem>> -> memref<1x128x128xf32, #tpu.memory_space<vmem>>
    %dma_start3A_25 = tpu.memref_squeeze %dma_start3A_24 : memref<1x128x128xf32, #tpu.memory_space<vmem>> -> memref<128x128xf32, #tpu.memory_space<vmem>>
    %dma_start3A_26 = arith.constant 0 : i32
    %dma_start3A_27 = tpu.memref_slice %arg12[%dma_start3A, %dma_start3A_19, %dma_start3A_20, %dma_start3A_26] : memref<3x50x1x128xi32, #tpu.memory_space<vmem>> -> memref<1x1x1x128xi32, #tpu.memory_space<vmem>>
    %dma_start3A_28 = tpu.memref_squeeze %dma_start3A_27 : memref<1x1x1x128xi32, #tpu.memory_space<vmem>> -> memref<128xi32, #tpu.memory_space<vmem>>
    %dma_start3A_29 = arith.constant 0 : i32
    %dma_start3A_30 = arith.constant 0 : i32
    %dma_start3A_31 = tpu.memref_slice %arg9[%dma_start3A_29, %dma_start3A_30] : memref<1024x128xf32, #tpu.memory_space<vmem_shared>> -> memref<1024x128xf32, #tpu.memory_space<vmem_shared>>
    tpu.enqueue_indirect_dma source(%dma_start3A_31 : memref<1024x128xf32, #tpu.memory_space<vmem_shared>>) target(%dma_start3A_25 : memref<128x128xf32, #tpu.memory_space<vmem>>) offsets(%dma_start3A_28 : memref<128xi32, #tpu.memory_space<vmem>>) semaphore(%arg14 : memref<!tpu.dma_semaphore, #tpu.memory_space<semaphore_mem>>) {add = true}
    %dma_start3A_32 = arith.constant 1 : i32
    %dma_start3A_33 = arith.constant 0 : i32
    %dma_start3A_34 = arith.constant 0 : i32
    %dma_start3A_35 = arith.constant 0 : i32
    %dma_start3A_36 = arith.constant 0 : i32
    %dma_start3A_37 = arith.constant 0 : i32
    %dma_start3A_38 = tpu.memref_slice %arg13[%dma_start3A_35, %dma_start3A_36, %dma_start3A_37] : memref<3x128x128xf32, #tpu.memory_space<vmem>> -> memref<1x128x128xf32, #tpu.memory_space<vmem>>
    %dma_start3A_39 = tpu.memref_squeeze %dma_start3A_38 : memref<1x128x128xf32, #tpu.memory_space<vmem>> -> memref<128x128xf32, #tpu.memory_space<vmem>>
    %dma_start3A_40 = arith.constant 0 : i32
    %dma_start3A_41 = tpu.memref_slice %arg12[%dma_start3A_32, %dma_start3A_33, %dma_start3A_34, %dma_start3A_40] : memref<3x50x1x128xi32, #tpu.memory_space<vmem>> -> memref<1x1x1x128xi32, #tpu.memory_space<vmem>>
    %dma_start3A_42 = tpu.memref_squeeze %dma_start3A_41 : memref<1x1x1x128xi32, #tpu.memory_space<vmem>> -> memref<128xi32, #tpu.memory_space<vmem>>
    %dma_start3A_43 = arith.constant 0 : i32
    %dma_start3A_44 = arith.constant 0 : i32
    %dma_start3A_45 = tpu.memref_slice %arg10[%dma_start3A_43, %dma_start3A_44] : memref<1024x128xf32, #tpu.memory_space<vmem_shared>> -> memref<1024x128xf32, #tpu.memory_space<vmem_shared>>
    tpu.enqueue_indirect_dma source(%dma_start3A_45 : memref<1024x128xf32, #tpu.memory_space<vmem_shared>>) target(%dma_start3A_39 : memref<128x128xf32, #tpu.memory_space<vmem>>) offsets(%dma_start3A_42 : memref<128xi32, #tpu.memory_space<vmem>>) semaphore(%arg14 : memref<!tpu.dma_semaphore, #tpu.memory_space<semaphore_mem>>) {add = true}
    %dma_start3A_46 = arith.constant 2 : i32
    %dma_start3A_47 = arith.constant 0 : i32
    %dma_start3A_48 = arith.constant 0 : i32
    %dma_start3A_49 = arith.constant 0 : i32
    %dma_start3A_50 = arith.constant 0 : i32
    %dma_start3A_51 = arith.constant 0 : i32
    %dma_start3A_52 = tpu.memref_slice %arg13[%dma_start3A_49, %dma_start3A_50, %dma_start3A_51] : memref<3x128x128xf32, #tpu.memory_space<vmem>> -> memref<1x128x128xf32, #tpu.memory_space<vmem>>
    %dma_start3A_53 = tpu.memref_squeeze %dma_start3A_52 : memref<1x128x128xf32, #tpu.memory_space<vmem>> -> memref<128x128xf32, #tpu.memory_space<vmem>>
    %dma_start3A_54 = arith.constant 0 : i32
    %dma_start3A_55 = tpu.memref_slice %arg12[%dma_start3A_46, %dma_start3A_47, %dma_start3A_48, %dma_start3A_54] : memref<3x50x1x128xi32, #tpu.memory_space<vmem>> -> memref<1x1x1x128xi32, #tpu.memory_space<vmem>>
    %dma_start3A_56 = tpu.memref_squeeze %dma_start3A_55 : memref<1x1x1x128xi32, #tpu.memory_space<vmem>> -> memref<128xi32, #tpu.memory_space<vmem>>
    %dma_start3A_57 = arith.constant 0 : i32
    %dma_start3A_58 = arith.constant 0 : i32
    %dma_start3A_59 = tpu.memref_slice %arg11[%dma_start3A_57, %dma_start3A_58] : memref<1024x128xf32, #tpu.memory_space<vmem_shared>> -> memref<1024x128xf32, #tpu.memory_space<vmem_shared>>
    tpu.enqueue_indirect_dma source(%dma_start3A_59 : memref<1024x128xf32, #tpu.memory_space<vmem_shared>>) target(%dma_start3A_53 : memref<128x128xf32, #tpu.memory_space<vmem>>) offsets(%dma_start3A_56 : memref<128xi32, #tpu.memory_space<vmem>>) semaphore(%arg14 : memref<!tpu.dma_semaphore, #tpu.memory_space<semaphore_mem>>) {add = true}
    %dma_start3A_60 = arith.constant 0 : i32
    %dma_start3A_61 = arith.constant 1 : i32
    %dma_start3A_62 = arith.constant 0 : i32
    %dma_start3A_63 = arith.constant 1 : i32
    %dma_start3A_64 = arith.constant 0 : i32
    %dma_start3A_65 = arith.constant 0 : i32
    %dma_start3A_66 = tpu.memref_slice %arg13[%dma_start3A_63, %dma_start3A_64, %dma_start3A_65] : memref<3x128x128xf32, #tpu.memory_space<vmem>> -> memref<1x128x128xf32, #tpu.memory_space<vmem>>
    %dma_start3A_67 = tpu.memref_squeeze %dma_start3A_66 : memref<1x128x128xf32, #tpu.memory_space<vmem>> -> memref<128x128xf32, #tpu.memory_space<vmem>>
    %dma_start3A_68 = arith.constant 0 : i32
    %dma_start3A_69 = tpu.memref_slice %arg12[%dma_start3A_60, %dma_start3A_61, %dma_start3A_62, %dma_start3A_68] : memref<3x50x1x128xi32, #tpu.memory_space<vmem>> -> memref<1x1x1x128xi32, #tpu.memory_space<vmem>>
    %dma_start3A_70 = tpu.memref_squeeze %dma_start3A_69 : memref<1x1x1x128xi32, #tpu.memory_space<vmem>> -> memref<128xi32, #tpu.memory_space<vmem>>
    %dma_start3A_71 = arith.constant 0 : i32
    %dma_start3A_72 = arith.constant 0 : i32
    %dma_start3A_73 = tpu.memref_slice %arg9[%dma_start3A_71, %dma_start3A_72] : memref<1024x128xf32, #tpu.memory_space<vmem_shared>> -> memref<1024x128xf32, #tpu.memory_space<vmem_shared>>
    tpu.enqueue_indirect_dma source(%dma_start3A_73 : memref<1024x128xf32, #tpu.memory_space<vmem_shared>>) target(%dma_start3A_67 : memref<128x128xf32, #tpu.memory_space<vmem>>) offsets(%dma_start3A_70 : memref<128xi32, #tpu.memory_space<vmem>>) semaphore(%arg15 : memref<!tpu.dma_semaphore, #tpu.memory_space<semaphore_mem>>) {add = true}
    %dma_start3A_74 = arith.constant 1 : i32
    %dma_start3A_75 = arith.constant 1 : i32
    %dma_start3A_76 = arith.constant 0 : i32
    %dma_start3A_77 = arith.constant 1 : i32
    %dma_start3A_78 = arith.constant 0 : i32
    %dma_start3A_79 = arith.constant 0 : i32
    %dma_start3A_80 = tpu.memref_slice %arg13[%dma_start3A_77, %dma_start3A_78, %dma_start3A_79] : memref<3x128x128xf32, #tpu.memory_space<vmem>> -> memref<1x128x128xf32, #tpu.memory_space<vmem>>
    %dma_start3A_81 = tpu.memref_squeeze %dma_start3A_80 : memref<1x128x128xf32, #tpu.memory_space<vmem>> -> memref<128x128xf32, #tpu.memory_space<vmem>>
    %dma_start3A_82 = arith.constant 0 : i32
    %dma_start3A_83 = tpu.memref_slice %arg12[%dma_start3A_74, %dma_start3A_75, %dma_start3A_76, %dma_start3A_82] : memref<3x50x1x128xi32, #tpu.memory_space<vmem>> -> memref<1x1x1x128xi32, #tpu.memory_space<vmem>>
    %dma_start3A_84 = tpu.memref_squeeze %dma_start3A_83 : memref<1x1x1x128xi32, #tpu.memory_space<vmem>> -> memref<128xi32, #tpu.memory_space<vmem>>
    %dma_start3A_85 = arith.constant 0 : i32
    %dma_start3A_86 = arith.constant 0 : i32
    %dma_start3A_87 = tpu.memref_slice %arg10[%dma_start3A_85, %dma_start3A_86] : memref<1024x128xf32, #tpu.memory_space<vmem_shared>> -> memref<1024x128xf32, #tpu.memory_space<vmem_shared>>
    tpu.enqueue_indirect_dma source(%dma_start3A_87 : memref<1024x128xf32, #tpu.memory_space<vmem_shared>>) target(%dma_start3A_81 : memref<128x128xf32, #tpu.memory_space<vmem>>) offsets(%dma_start3A_84 : memref<128xi32, #tpu.memory_space<vmem>>) semaphore(%arg15 : memref<!tpu.dma_semaphore, #tpu.memory_space<semaphore_mem>>) {add = true}
    %dma_start3A_88 = arith.constant 2 : i32
    %dma_start3A_89 = arith.constant 1 : i32
    %dma_start3A_90 = arith.constant 0 : i32
    %dma_start3A_91 = arith.constant 1 : i32
    %dma_start3A_92 = arith.constant 0 : i32
    %dma_start3A_93 = arith.constant 0 : i32
    %dma_start3A_94 = tpu.memref_slice %arg13[%dma_start3A_91, %dma_start3A_92, %dma_start3A_93] : memref<3x128x128xf32, #tpu.memory_space<vmem>> -> memref<1x128x128xf32, #tpu.memory_space<vmem>>
    %dma_start3A_95 = tpu.memref_squeeze %dma_start3A_94 : memref<1x128x128xf32, #tpu.memory_space<vmem>> -> memref<128x128xf32, #tpu.memory_space<vmem>>
    %dma_start3A_96 = arith.constant 0 : i32
    %dma_start3A_97 = tpu.memref_slice %arg12[%dma_start3A_88, %dma_start3A_89, %dma_start3A_90, %dma_start3A_96] : memref<3x50x1x128xi32, #tpu.memory_space<vmem>> -> memref<1x1x1x128xi32, #tpu.memory_space<vmem>>
    %dma_start3A_98 = tpu.memref_squeeze %dma_start3A_97 : memref<1x1x1x128xi32, #tpu.memory_space<vmem>> -> memref<128xi32, #tpu.memory_space<vmem>>
    %dma_start3A_99 = arith.constant 0 : i32
    %dma_start3A_100 = arith.constant 0 : i32
    %dma_start3A_101 = tpu.memref_slice %arg11[%dma_start3A_99, %dma_start3A_100] : memref<1024x128xf32, #tpu.memory_space<vmem_shared>> -> memref<1024x128xf32, #tpu.memory_space<vmem_shared>>
    tpu.enqueue_indirect_dma source(%dma_start3A_101 : memref<1024x128xf32, #tpu.memory_space<vmem_shared>>) target(%dma_start3A_95 : memref<128x128xf32, #tpu.memory_space<vmem>>) offsets(%dma_start3A_98 : memref<128xi32, #tpu.memory_space<vmem>>) semaphore(%arg15 : memref<!tpu.dma_semaphore, #tpu.memory_space<semaphore_mem>>) {add = true}
    %scan3A_102 = arith.constant 0 : i32
    %scan3A_103 = arith.constant 0 : i32
    %scan3A_104 = arith.constant 16 : i32
    %scan3A_105 = arith.addi %scan3A_103, %scan3A_104 : i32
    %scan3A_106 = arith.constant 1 : i32
    scf.for %scan3A_205 = %scan3A_103 to %scan3A_105 step %scan3A_106  : i32 {
      %mul3A_206 = arith.constant 3 : i32
      %mul3A_207 = arith.muli %mul3A_206, %scan3A_205 : i32
      %add3A_208 = arith.constant 0 : i32
      %add3A_209 = arith.addi %mul3A_207, %add3A_208 : i32
      %broadcast_in_dim3A_210 = arith.constant 0.000000e+00 : f32
      %broadcast_in_dim3A_211 = vector.broadcast %broadcast_in_dim3A_210 : f32 to vector<16xf32>
      %scan3A_212 = arith.constant 0 : i32
      %scan3A_213 = arith.constant 0 : i32
      %scan3A_214 = arith.constant 128 : i32
      %scan3A_215 = arith.addi %scan3A_213, %scan3A_214 : i32
      %scan3A_216 = arith.constant 1 : i32
      scf.for %scan3A_496 = %scan3A_213 to %scan3A_215 step %scan3A_216  : i32 {
        %swap3A = arith.constant 2 : i32
        %swap3A_497 = arith.index_cast %swap3A : i32 to index
        %swap3A_498 = arith.index_cast %scan3A_496 : i32 to index
        %swap3A_499 = arith.constant 0 : index
        %swap3A_500 = tpu.vector_load %arg13[%swap3A_497, %swap3A_498, %swap3A_499] {strides = array<i32>} : memref<3x128x128xf32, #tpu.memory_space<vmem>>, vector<1x1x16xf32>,
        %swap3A_501 = vector.shape_cast %swap3A_500 : vector<1x1x16xf32> to vector<16xf32>
        %swap3A_502 = vector.shape_cast %broadcast_in_dim3A_211 : vector<16xf32> to vector<1x1x16xf32>
        tpu.vector_store %arg13[%swap3A_497, %swap3A_498, %swap3A_499], %swap3A_502 {strides = array<i32>} : memref<3x128x128xf32, #tpu.memory_space<vmem>>, vector<1x1x16xf32>,
        %swap3A_503 = arith.constant 2 : i32
        %swap3A_504 = arith.index_cast %swap3A_503 : i32 to index
        %swap3A_505 = arith.index_cast %scan3A_496 : i32 to index
        %swap3A_506 = arith.constant 16 : index
        %swap3A_507 = tpu.vector_load %arg13[%swap3A_504, %swap3A_505, %swap3A_506] {strides = array<i32>} : memref<3x128x128xf32, #tpu.memory_space<vmem>>, vector<1x1x16xf32>,
        %swap3A_508 = vector.shape_cast %swap3A_507 : vector<1x1x16xf32> to vector<16xf32>
        %swap3A_509 = vector.shape_cast %broadcast_in_dim3A_211 : vector<16xf32> to vector<1x1x16xf32>
        tpu.vector_store %arg13[%swap3A_504, %swap3A_505, %swap3A_506], %swap3A_509 {strides = array<i32>} : memref<3x128x128xf32, #tpu.memory_space<vmem>>, vector<1x1x16xf32>,
        %swap3A_510 = arith.constant 2 : i32
        %swap3A_511 = arith.index_cast %swap3A_510 : i32 to index
        %swap3A_512 = arith.index_cast %scan3A_496 : i32 to index
        %swap3A_513 = arith.constant 32 : index
        %swap3A_514 = tpu.vector_load %arg13[%swap3A_511, %swap3A_512, %swap3A_513] {strides = array<i32>} : memref<3x128x128xf32, #tpu.memory_space<vmem>>, vector<1x1x16xf32>,
        %swap3A_515 = vector.shape_cast %swap3A_514 : vector<1x1x16xf32> to vector<16xf32>
        %swap3A_516 = vector.shape_cast %broadcast_in_dim3A_211 : vector<16xf32> to vector<1x1x16xf32>
        tpu.vector_store %arg13[%swap3A_511, %swap3A_512, %swap3A_513], %swap3A_516 {strides = array<i32>} : memref<3x128x128xf32, #tpu.memory_space<vmem>>, vector<1x1x16xf32>,
        %swap3A_517 = arith.constant 2 : i32
        %swap3A_518 = arith.index_cast %swap3A_517 : i32 to index
        %swap3A_519 = arith.index_cast %scan3A_496 : i32 to index
        %swap3A_520 = arith.constant 48 : index
        %swap3A_521 = tpu.vector_load %arg13[%swap3A_518, %swap3A_519, %swap3A_520] {strides = array<i32>} : memref<3x128x128xf32, #tpu.memory_space<vmem>>, vector<1x1x16xf32>,
        %swap3A_522 = vector.shape_cast %swap3A_521 : vector<1x1x16xf32> to vector<16xf32>
        %swap3A_523 = vector.shape_cast %broadcast_in_dim3A_211 : vector<16xf32> to vector<1x1x16xf32>
        tpu.vector_store %arg13[%swap3A_518, %swap3A_519, %swap3A_520], %swap3A_523 {strides = array<i32>} : memref<3x128x128xf32, #tpu.memory_space<vmem>>, vector<1x1x16xf32>,
        %swap3A_524 = arith.constant 2 : i32
        %swap3A_525 = arith.index_cast %swap3A_524 : i32 to index
        %swap3A_526 = arith.index_cast %scan3A_496 : i32 to index
        %swap3A_527 = arith.constant 64 : index
        %swap3A_528 = tpu.vector_load %arg13[%swap3A_525, %swap3A_526, %swap3A_527] {strides = array<i32>} : memref<3x128x128xf32, #tpu.memory_space<vmem>>, vector<1x1x16xf32>,
        %swap3A_529 = vector.shape_cast %swap3A_528 : vector<1x1x16xf32> to vector<16xf32>
        %swap3A_530 = vector.shape_cast %broadcast_in_dim3A_211 : vector<16xf32> to vector<1x1x16xf32>
        tpu.vector_store %arg13[%swap3A_525, %swap3A_526, %swap3A_527], %swap3A_530 {strides = array<i32>} : memref<3x128x128xf32, #tpu.memory_space<vmem>>, vector<1x1x16xf32>,
        %swap3A_531 = arith.constant 2 : i32
        %swap3A_532 = arith.index_cast %swap3A_531 : i32 to index
        %swap3A_533 = arith.index_cast %scan3A_496 : i32 to index
        %swap3A_534 = arith.constant 80 : index
        %swap3A_535 = tpu.vector_load %arg13[%swap3A_532, %swap3A_533, %swap3A_534] {strides = array<i32>} : memref<3x128x128xf32, #tpu.memory_space<vmem>>, vector<1x1x16xf32>,
        %swap3A_536 = vector.shape_cast %swap3A_535 : vector<1x1x16xf32> to vector<16xf32>
        %swap3A_537 = vector.shape_cast %broadcast_in_dim3A_211 : vector<16xf32> to vector<1x1x16xf32>
        tpu.vector_store %arg13[%swap3A_532, %swap3A_533, %swap3A_534], %swap3A_537 {strides = array<i32>} : memref<3x128x128xf32, #tpu.memory_space<vmem>>, vector<1x1x16xf32>,
        %swap3A_538 = arith.constant 2 : i32
        %swap3A_539 = arith.index_cast %swap3A_538 : i32 to index
        %swap3A_540 = arith.index_cast %scan3A_496 : i32 to index
        %swap3A_541 = arith.constant 96 : index
        %swap3A_542 = tpu.vector_load %arg13[%swap3A_539, %swap3A_540, %swap3A_541] {strides = array<i32>} : memref<3x128x128xf32, #tpu.memory_space<vmem>>, vector<1x1x16xf32>,
        %swap3A_543 = vector.shape_cast %swap3A_542 : vector<1x1x16xf32> to vector<16xf32>
        %swap3A_544 = vector.shape_cast %broadcast_in_dim3A_211 : vector<16xf32> to vector<1x1x16xf32>
        tpu.vector_store %arg13[%swap3A_539, %swap3A_540, %swap3A_541], %swap3A_544 {strides = array<i32>} : memref<3x128x128xf32, #tpu.memory_space<vmem>>, vector<1x1x16xf32>,
        %swap3A_545 = arith.constant 2 : i32
        %swap3A_546 = arith.index_cast %swap3A_545 : i32 to index
        %swap3A_547 = arith.index_cast %scan3A_496 : i32 to index
        %swap3A_548 = arith.constant 112 : index
        %swap3A_549 = tpu.vector_load %arg13[%swap3A_546, %swap3A_547, %swap3A_548] {strides = array<i32>} : memref<3x128x128xf32, #tpu.memory_space<vmem>>, vector<1x1x16xf32>,
        %swap3A_550 = vector.shape_cast %swap3A_549 : vector<1x1x16xf32> to vector<16xf32>
        %swap3A_551 = vector.shape_cast %broadcast_in_dim3A_211 : vector<16xf32> to vector<1x1x16xf32>
        tpu.vector_store %arg13[%swap3A_546, %swap3A_547, %swap3A_548], %swap3A_551 {strides = array<i32>} : memref<3x128x128xf32, #tpu.memory_space<vmem>>, vector<1x1x16xf32>,
      }
      %scan3A_217 = arith.constant 128 : i32
      %add3A_218 = arith.constant 2 : i32
      %add3A_219 = arith.addi %add3A_209, %add3A_218 : i32
      %dma_start3A_220 = arith.constant 0 : i32
      %dma_start3A_221 = arith.constant 0 : i32
      %dma_start3A_222 = arith.constant 2 : i32
      %dma_start3A_223 = arith.constant 0 : i32
      %dma_start3A_224 = arith.constant 0 : i32
      %dma_start3A_225 = tpu.memref_slice %arg13[%dma_start3A_222, %dma_start3A_223, %dma_start3A_224] : memref<3x128x128xf32, #tpu.memory_space<vmem>> -> memref<1x128x128xf32, #tpu.memory_space<vmem>>
      %dma_start3A_226 = tpu.memref_squeeze %dma_start3A_225 : memref<1x128x128xf32, #tpu.memory_space<vmem>> -> memref<128x128xf32, #tpu.memory_space<vmem>>
      %dma_start3A_227 = arith.constant 0 : i32
      %dma_start3A_228 = tpu.memref_slice %arg12[%dma_start3A_220, %add3A_219, %dma_start3A_221, %dma_start3A_227] : memref<3x50x1x128xi32, #tpu.memory_space<vmem>> -> memref<1x1x1x128xi32, #tpu.memory_space<vmem>>
      %dma_start3A_229 = tpu.memref_squeeze %dma_start3A_228 : memref<1x1x1x128xi32, #tpu.memory_space<vmem>> -> memref<128xi32, #tpu.memory_space<vmem>>
      %dma_start3A_230 = arith.constant 0 : i32
      %dma_start3A_231 = arith.constant 0 : i32
      %dma_start3A_232 = tpu.memref_slice %arg9[%dma_start3A_230, %dma_start3A_231] : memref<1024x128xf32, #tpu.memory_space<vmem_shared>> -> memref<1024x128xf32, #tpu.memory_space<vmem_shared>>
      tpu.enqueue_indirect_dma source(%dma_start3A_232 : memref<1024x128xf32, #tpu.memory_space<vmem_shared>>) target(%dma_start3A_226 : memref<128x128xf32, #tpu.memory_space<vmem>>) offsets(%dma_start3A_229 : memref<128xi32, #tpu.memory_space<vmem>>) semaphore(%arg16 : memref<!tpu.dma_semaphore, #tpu.memory_space<semaphore_mem>>) {add = true}
      %dma_start3A_233 = arith.constant 1 : i32
      %dma_start3A_234 = arith.constant 0 : i32
      %dma_start3A_235 = arith.constant 2 : i32
      %dma_start3A_236 = arith.constant 0 : i32
      %dma_start3A_237 = arith.constant 0 : i32
      %dma_start3A_238 = tpu.memref_slice %arg13[%dma_start3A_235, %dma_start3A_236, %dma_start3A_237] : memref<3x128x128xf32, #tpu.memory_space<vmem>> -> memref<1x128x128xf32, #tpu.memory_space<vmem>>
      %dma_start3A_239 = tpu.memref_squeeze %dma_start3A_238 : memref<1x128x128xf32, #tpu.memory_space<vmem>> -> memref<128x128xf32, #tpu.memory_space<vmem>>
      %dma_start3A_240 = arith.constant 0 : i32
      %dma_start3A_241 = tpu.memref_slice %arg12[%dma_start3A_233, %add3A_219, %dma_start3A_234, %dma_start3A_240] : memref<3x50x1x128xi32, #tpu.memory_space<vmem>> -> memref<1x1x1x128xi32, #tpu.memory_space<vmem>>
      %dma_start3A_242 = tpu.memref_squeeze %dma_start3A_241 : memref<1x1x1x128xi32, #tpu.memory_space<vmem>> -> memref<128xi32, #tpu.memory_space<vmem>>
      %dma_start3A_243 = arith.constant 0 : i32
      %dma_start3A_244 = arith.constant 0 : i32
      %dma_start3A_245 = tpu.memref_slice %arg10[%dma_start3A_243, %dma_start3A_244] : memref<1024x128xf32, #tpu.memory_space<vmem_shared>> -> memref<1024x128xf32, #tpu.memory_space<vmem_shared>>
      tpu.enqueue_indirect_dma source(%dma_start3A_245 : memref<1024x128xf32, #tpu.memory_space<vmem_shared>>) target(%dma_start3A_239 : memref<128x128xf32, #tpu.memory_space<vmem>>) offsets(%dma_start3A_242 : memref<128xi32, #tpu.memory_space<vmem>>) semaphore(%arg16 : memref<!tpu.dma_semaphore, #tpu.memory_space<semaphore_mem>>) {add = true}
      %dma_start3A_246 = arith.constant 2 : i32
      %dma_start3A_247 = arith.constant 0 : i32
      %dma_start3A_248 = arith.constant 2 : i32
      %dma_start3A_249 = arith.constant 0 : i32
      %dma_start3A_250 = arith.constant 0 : i32
      %dma_start3A_251 = tpu.memref_slice %arg13[%dma_start3A_248, %dma_start3A_249, %dma_start3A_250] : memref<3x128x128xf32, #tpu.memory_space<vmem>> -> memref<1x128x128xf32, #tpu.memory_space<vmem>>
      %dma_start3A_252 = tpu.memref_squeeze %dma_start3A_251 : memref<1x128x128xf32, #tpu.memory_space<vmem>> -> memref<128x128xf32, #tpu.memory_space<vmem>>
      %dma_start3A_253 = arith.constant 0 : i32
      %dma_start3A_254 = tpu.memref_slice %arg12[%dma_start3A_246, %add3A_219, %dma_start3A_247, %dma_start3A_253] : memref<3x50x1x128xi32, #tpu.memory_space<vmem>> -> memref<1x1x1x128xi32, #tpu.memory_space<vmem>>
      %dma_start3A_255 = tpu.memref_squeeze %dma_start3A_254 : memref<1x1x1x128xi32, #tpu.memory_space<vmem>> -> memref<128xi32, #tpu.memory_space<vmem>>
      %dma_start3A_256 = arith.constant 0 : i32
      %dma_start3A_257 = arith.constant 0 : i32
      %dma_start3A_258 = tpu.memref_slice %arg11[%dma_start3A_256, %dma_start3A_257] : memref<1024x128xf32, #tpu.memory_space<vmem_shared>> -> memref<1024x128xf32, #tpu.memory_space<vmem_shared>>
      tpu.enqueue_indirect_dma source(%dma_start3A_258 : memref<1024x128xf32, #tpu.memory_space<vmem_shared>>) target(%dma_start3A_252 : memref<128x128xf32, #tpu.memory_space<vmem>>) offsets(%dma_start3A_255 : memref<128xi32, #tpu.memory_space<vmem>>) semaphore(%arg16 : memref<!tpu.dma_semaphore, #tpu.memory_space<semaphore_mem>>) {add = true}
      %dma_wait3A_259 = arith.constant 0 : i32
      %dma_wait3A_260 = arith.constant 0 : i32
      %dma_wait3A_261 = arith.constant 0 : i32
      %dma_wait3A_262 = arith.constant 0 : i32
      %dma_wait3A_263 = arith.constant 0 : i32
      %dma_wait3A_264 = tpu.memref_slice %arg13[%dma_wait3A_261, %dma_wait3A_262, %dma_wait3A_263] : memref<3x128x128xf32, #tpu.memory_space<vmem>> -> memref<1x128x128xf32, #tpu.memory_space<vmem>>
      %dma_wait3A_265 = tpu.memref_squeeze %dma_wait3A_264 : memref<1x128x128xf32, #tpu.memory_space<vmem>> -> memref<128x128xf32, #tpu.memory_space<vmem>>
      %dma_wait3A_266 = arith.constant 0 : i32
      %dma_wait3A_267 = tpu.memref_slice %arg12[%dma_wait3A_259, %add3A_209, %dma_wait3A_260, %dma_wait3A_266] : memref<3x50x1x128xi32, #tpu.memory_space<vmem>> -> memref<1x1x1x128xi32, #tpu.memory_space<vmem>>
      %dma_wait3A_268 = tpu.memref_squeeze %dma_wait3A_267 : memref<1x1x1x128xi32, #tpu.memory_space<vmem>> -> memref<128xi32, #tpu.memory_space<vmem>>
      %dma_wait3A_269 = arith.constant 0 : i32
      %dma_wait3A_270 = arith.constant 0 : i32
      %dma_wait3A_271 = tpu.memref_slice %arg9[%dma_wait3A_269, %dma_wait3A_270] : memref<1024x128xf32, #tpu.memory_space<vmem_shared>> -> memref<1024x128xf32, #tpu.memory_space<vmem_shared>>
      tpu.wait_indirect_dma semaphore(%arg14 : memref<!tpu.dma_semaphore, #tpu.memory_space<semaphore_mem>>) src(%dma_wait3A_271 : memref<1024x128xf32, #tpu.memory_space<vmem_shared>>) dst(%dma_wait3A_265 : memref<128x128xf32, #tpu.memory_space<vmem>>)
      %dma_wait3A_272 = arith.constant 1 : i32
      %dma_wait3A_273 = arith.constant 0 : i32
      %dma_wait3A_274 = arith.constant 0 : i32
      %dma_wait3A_275 = arith.constant 0 : i32
      %dma_wait3A_276 = arith.constant 0 : i32
      %dma_wait3A_277 = tpu.memref_slice %arg13[%dma_wait3A_274, %dma_wait3A_275, %dma_wait3A_276] : memref<3x128x128xf32, #tpu.memory_space<vmem>> -> memref<1x128x128xf32, #tpu.memory_space<vmem>>
      %dma_wait3A_278 = tpu.memref_squeeze %dma_wait3A_277 : memref<1x128x128xf32, #tpu.memory_space<vmem>> -> memref<128x128xf32, #tpu.memory_space<vmem>>
      %dma_wait3A_279 = arith.constant 0 : i32
      %dma_wait3A_280 = tpu.memref_slice %arg12[%dma_wait3A_272, %add3A_209, %dma_wait3A_273, %dma_wait3A_279] : memref<3x50x1x128xi32, #tpu.memory_space<vmem>> -> memref<1x1x1x128xi32, #tpu.memory_space<vmem>>
      %dma_wait3A_281 = tpu.memref_squeeze %dma_wait3A_280 : memref<1x1x1x128xi32, #tpu.memory_space<vmem>> -> memref<128xi32, #tpu.memory_space<vmem>>
      %dma_wait3A_282 = arith.constant 0 : i32
      %dma_wait3A_283 = arith.constant 0 : i32
      %dma_wait3A_284 = tpu.memref_slice %arg10[%dma_wait3A_282, %dma_wait3A_283] : memref<1024x128xf32, #tpu.memory_space<vmem_shared>> -> memref<1024x128xf32, #tpu.memory_space<vmem_shared>>
      tpu.wait_indirect_dma semaphore(%arg14 : memref<!tpu.dma_semaphore, #tpu.memory_space<semaphore_mem>>) src(%dma_wait3A_284 : memref<1024x128xf32, #tpu.memory_space<vmem_shared>>) dst(%dma_wait3A_278 : memref<128x128xf32, #tpu.memory_space<vmem>>)
      %dma_wait3A_285 = arith.constant 2 : i32
      %dma_wait3A_286 = arith.constant 0 : i32
      %dma_wait3A_287 = arith.constant 0 : i32
      %dma_wait3A_288 = arith.constant 0 : i32
      %dma_wait3A_289 = arith.constant 0 : i32
      %dma_wait3A_290 = tpu.memref_slice %arg13[%dma_wait3A_287, %dma_wait3A_288, %dma_wait3A_289] : memref<3x128x128xf32, #tpu.memory_space<vmem>> -> memref<1x128x128xf32, #tpu.memory_space<vmem>>
      %dma_wait3A_291 = tpu.memref_squeeze %dma_wait3A_290 : memref<1x128x128xf32, #tpu.memory_space<vmem>> -> memref<128x128xf32, #tpu.memory_space<vmem>>
      %dma_wait3A_292 = arith.constant 0 : i32
      %dma_wait3A_293 = tpu.memref_slice %arg12[%dma_wait3A_285, %add3A_209, %dma_wait3A_286, %dma_wait3A_292] : memref<3x50x1x128xi32, #tpu.memory_space<vmem>> -> memref<1x1x1x128xi32, #tpu.memory_space<vmem>>
      %dma_wait3A_294 = tpu.memref_squeeze %dma_wait3A_293 : memref<1x1x1x128xi32, #tpu.memory_space<vmem>> -> memref<128xi32, #tpu.memory_space<vmem>>
      %dma_wait3A_295 = arith.constant 0 : i32
      %dma_wait3A_296 = arith.constant 0 : i32
      %dma_wait3A_297 = tpu.memref_slice %arg11[%dma_wait3A_295, %dma_wait3A_296] : memref<1024x128xf32, #tpu.memory_space<vmem_shared>> -> memref<1024x128xf32, #tpu.memory_space<vmem_shared>>
      tpu.wait_indirect_dma semaphore(%arg14 : memref<!tpu.dma_semaphore, #tpu.memory_space<semaphore_mem>>) src(%dma_wait3A_297 : memref<1024x128xf32, #tpu.memory_space<vmem_shared>>) dst(%dma_wait3A_291 : memref<128x128xf32, #tpu.memory_space<vmem>>)
      %mul3A_298 = arith.constant 50 : i32
      %mul3A_299 = arith.muli %add3A, %mul3A_298 : i32
      %add3A_300 = arith.addi %mul3A_299, %add3A_209 : i32
      %mul3A_301 = arith.constant 128 : i32
      %mul3A_302 = arith.muli %add3A_300, %mul3A_301 : i32
      %run_scoped3A_303 = arith.constant 0 : i32
      "tpu.region"() ({
        %run_scoped3A_496 = tpu.sem_alloc : memref<!tpu.dma_semaphore, #tpu.memory_space<semaphore_mem>>
        %dma_start3A_497 = arith.constant 0 : i32
        %dma_start3A_498 = arith.constant 0 : i32
        %dma_start3A_499 = tpu.memref_slice %arg13[%run_scoped3A_303, %dma_start3A_497, %dma_start3A_498] : memref<3x128x128xf32, #tpu.memory_space<vmem>> -> memref<1x128x128xf32, #tpu.memory_space<vmem>>
        %dma_start3A_500 = tpu.memref_squeeze %dma_start3A_499 : memref<1x128x128xf32, #tpu.memory_space<vmem>> -> memref<128x128xf32, #tpu.memory_space<vmem>>
        %dma_start3A_501 = arith.constant 0 : i32
        %dma_start3A_502 = tpu.memref_slice %arg8[%mul3A_302, %dma_start3A_501] : memref<204800x128xf32, #tpu.memory_space<hbm>> -> memref<128x128xf32, #tpu.memory_space<hbm>>
        %dma_start3A_503 = arith.constant 0 : i32
        %dma_start3A_504 = tpu.memref_slice %arg8[%mul3A_302, %dma_start3A_503] : memref<204800x128xf32, #tpu.memory_space<hbm>> -> memref<128x128xf32, #tpu.memory_space<hbm>>
        %dma_start3A_505 = arith.constant 0 : i32
        %dma_start3A_506 = arith.constant 0 : i32
        %dma_start3A_507 = tpu.memref_slice %arg13[%run_scoped3A_303, %dma_start3A_505, %dma_start3A_506] : memref<3x128x128xf32, #tpu.memory_space<vmem>> -> memref<1x128x128xf32, #tpu.memory_space<vmem>>
        %dma_start3A_508 = tpu.memref_squeeze %dma_start3A_507 : memref<1x128x128xf32, #tpu.memory_space<vmem>> -> memref<128x128xf32, #tpu.memory_space<vmem>>
        tpu.enqueue_dma source(%dma_start3A_508 : memref<128x128xf32, #tpu.memory_space<vmem>>) target(%dma_start3A_504 : memref<128x128xf32, #tpu.memory_space<hbm>>) target_semaphore(%run_scoped3A_496 : memref<!tpu.dma_semaphore, #tpu.memory_space<semaphore_mem>>)
        %dma_wait3A_509 = arith.constant 0 : i32
        %dma_wait3A_510 = arith.constant 0 : i32
        %dma_wait3A_511 = tpu.memref_slice %arg13[%run_scoped3A_303, %dma_wait3A_509, %dma_wait3A_510] : memref<3x128x128xf32, #tpu.memory_space<vmem>> -> memref<1x128x128xf32, #tpu.memory_space<vmem>>
        %dma_wait3A_512 = tpu.memref_squeeze %dma_wait3A_511 : memref<1x128x128xf32, #tpu.memory_space<vmem>> -> memref<128x128xf32, #tpu.memory_space<vmem>>
        %dma_wait3A_513 = arith.constant 0 : i32
        %dma_wait3A_514 = tpu.memref_slice %arg8[%mul3A_302, %dma_wait3A_513] : memref<204800x128xf32, #tpu.memory_space<hbm>> -> memref<128x128xf32, #tpu.memory_space<hbm>>
        %dma_wait3A_515 = arith.constant 0 : i32
        %dma_wait3A_516 = tpu.memref_slice %arg8[%mul3A_302, %dma_wait3A_515] : memref<204800x128xf32, #tpu.memory_space<hbm>> -> memref<128x128xf32, #tpu.memory_space<hbm>>
        %dma_wait3A_517 = arith.constant 0 : i32
        %dma_wait3A_518 = arith.constant 0 : i32
        %dma_wait3A_519 = tpu.memref_slice %arg13[%run_scoped3A_303, %dma_wait3A_517, %dma_wait3A_518] : memref<3x128x128xf32, #tpu.memory_space<vmem>> -> memref<1x128x128xf32, #tpu.memory_space<vmem>>
        %dma_wait3A_520 = tpu.memref_squeeze %dma_wait3A_519 : memref<1x128x128xf32, #tpu.memory_space<vmem>> -> memref<128x128xf32, #tpu.memory_space<vmem>>
        tpu.wait_dma2 semaphore(%run_scoped3A_496 : memref<!tpu.dma_semaphore, #tpu.memory_space<semaphore_mem>>) src(%dma_wait3A_520 : memref<128x128xf32, #tpu.memory_space<vmem>>) dst(%dma_wait3A_516 : memref<128x128xf32, #tpu.memory_space<hbm>>)
        tpu.yield
      }) : () -> ()
      %add3A_304 = arith.constant 1 : i32
      %add3A_305 = arith.addi %mul3A_207, %add3A_304 : i32
      %broadcast_in_dim3A_306 = arith.constant 0.000000e+00 : f32
      %broadcast_in_dim3A_307 = vector.broadcast %broadcast_in_dim3A_306 : f32 to vector<16xf32>
      %scan3A_308 = arith.constant 0 : i32
      %scan3A_309 = arith.constant 0 : i32
      %scan3A_310 = arith.constant 128 : i32
      %scan3A_311 = arith.addi %scan3A_309, %scan3A_310 : i32
      %scan3A_312 = arith.constant 1 : i32
      scf.for %scan3A_496 = %scan3A_309 to %scan3A_311 step %scan3A_312  : i32 {
        %swap3A = arith.constant 0 : i32
        %swap3A_497 = arith.index_cast %swap3A : i32 to index
        %swap3A_498 = arith.index_cast %scan3A_496 : i32 to index
        %swap3A_499 = arith.constant 0 : index
        %swap3A_500 = tpu.vector_load %arg13[%swap3A_497, %swap3A_498, %swap3A_499] {strides = array<i32>} : memref<3x128x128xf32, #tpu.memory_space<vmem>>, vector<1x1x16xf32>,
        %swap3A_501 = vector.shape_cast %swap3A_500 : vector<1x1x16xf32> to vector<16xf32>
        %swap3A_502 = vector.shape_cast %broadcast_in_dim3A_307 : vector<16xf32> to vector<1x1x16xf32>
        tpu.vector_store %arg13[%swap3A_497, %swap3A_498, %swap3A_499], %swap3A_502 {strides = array<i32>} : memref<3x128x128xf32, #tpu.memory_space<vmem>>, vector<1x1x16xf32>,
        %swap3A_503 = arith.constant 0 : i32
        %swap3A_504 = arith.index_cast %swap3A_503 : i32 to index
        %swap3A_505 = arith.index_cast %scan3A_496 : i32 to index
        %swap3A_506 = arith.constant 16 : index
        %swap3A_507 = tpu.vector_load %arg13[%swap3A_504, %swap3A_505, %swap3A_506] {strides = array<i32>} : memref<3x128x128xf32, #tpu.memory_space<vmem>>, vector<1x1x16xf32>,
        %swap3A_508 = vector.shape_cast %swap3A_507 : vector<1x1x16xf32> to vector<16xf32>
        %swap3A_509 = vector.shape_cast %broadcast_in_dim3A_307 : vector<16xf32> to vector<1x1x16xf32>
        tpu.vector_store %arg13[%swap3A_504, %swap3A_505, %swap3A_506], %swap3A_509 {strides = array<i32>} : memref<3x128x128xf32, #tpu.memory_space<vmem>>, vector<1x1x16xf32>,
        %swap3A_510 = arith.constant 0 : i32
        %swap3A_511 = arith.index_cast %swap3A_510 : i32 to index
        %swap3A_512 = arith.index_cast %scan3A_496 : i32 to index
        %swap3A_513 = arith.constant 32 : index
        %swap3A_514 = tpu.vector_load %arg13[%swap3A_511, %swap3A_512, %swap3A_513] {strides = array<i32>} : memref<3x128x128xf32, #tpu.memory_space<vmem>>, vector<1x1x16xf32>,
        %swap3A_515 = vector.shape_cast %swap3A_514 : vector<1x1x16xf32> to vector<16xf32>
        %swap3A_516 = vector.shape_cast %broadcast_in_dim3A_307 : vector<16xf32> to vector<1x1x16xf32>
        tpu.vector_store %arg13[%swap3A_511, %swap3A_512, %swap3A_513], %swap3A_516 {strides = array<i32>} : memref<3x128x128xf32, #tpu.memory_space<vmem>>, vector<1x1x16xf32>,
        %swap3A_517 = arith.constant 0 : i32
        %swap3A_518 = arith.index_cast %swap3A_517 : i32 to index
        %swap3A_519 = arith.index_cast %scan3A_496 : i32 to index
        %swap3A_520 = arith.constant 48 : index
        %swap3A_521 = tpu.vector_load %arg13[%swap3A_518, %swap3A_519, %swap3A_520] {strides = array<i32>} : memref<3x128x128xf32, #tpu.memory_space<vmem>>, vector<1x1x16xf32>,
        %swap3A_522 = vector.shape_cast %swap3A_521 : vector<1x1x16xf32> to vector<16xf32>
        %swap3A_523 = vector.shape_cast %broadcast_in_dim3A_307 : vector<16xf32> to vector<1x1x16xf32>
        tpu.vector_store %arg13[%swap3A_518, %swap3A_519, %swap3A_520], %swap3A_523 {strides = array<i32>} : memref<3x128x128xf32, #tpu.memory_space<vmem>>, vector<1x1x16xf32>,
        %swap3A_524 = arith.constant 0 : i32
        %swap3A_525 = arith.index_cast %swap3A_524 : i32 to index
        %swap3A_526 = arith.index_cast %scan3A_496 : i32 to index
        %swap3A_527 = arith.constant 64 : index
        %swap3A_528 = tpu.vector_load %arg13[%swap3A_525, %swap3A_526, %swap3A_527] {strides = array<i32>} : memref<3x128x128xf32, #tpu.memory_space<vmem>>, vector<1x1x16xf32>,
        %swap3A_529 = vector.shape_cast %swap3A_528 : vector<1x1x16xf32> to vector<16xf32>
        %swap3A_530 = vector.shape_cast %broadcast_in_dim3A_307 : vector<16xf32> to vector<1x1x16xf32>
        tpu.vector_store %arg13[%swap3A_525, %swap3A_526, %swap3A_527], %swap3A_530 {strides = array<i32>} : memref<3x128x128xf32, #tpu.memory_space<vmem>>, vector<1x1x16xf32>,
        %swap3A_531 = arith.constant 0 : i32
        %swap3A_532 = arith.index_cast %swap3A_531 : i32 to index
        %swap3A_533 = arith.index_cast %scan3A_496 : i32 to index
        %swap3A_534 = arith.constant 80 : index
        %swap3A_535 = tpu.vector_load %arg13[%swap3A_532, %swap3A_533, %swap3A_534] {strides = array<i32>} : memref<3x128x128xf32, #tpu.memory_space<vmem>>, vector<1x1x16xf32>,
        %swap3A_536 = vector.shape_cast %swap3A_535 : vector<1x1x16xf32> to vector<16xf32>
        %swap3A_537 = vector.shape_cast %broadcast_in_dim3A_307 : vector<16xf32> to vector<1x1x16xf32>
        tpu.vector_store %arg13[%swap3A_532, %swap3A_533, %swap3A_534], %swap3A_537 {strides = array<i32>} : memref<3x128x128xf32, #tpu.memory_space<vmem>>, vector<1x1x16xf32>,
        %swap3A_538 = arith.constant 0 : i32
        %swap3A_539 = arith.index_cast %swap3A_538 : i32 to index
        %swap3A_540 = arith.index_cast %scan3A_496 : i32 to index
        %swap3A_541 = arith.constant 96 : index
        %swap3A_542 = tpu.vector_load %arg13[%swap3A_539, %swap3A_540, %swap3A_541] {strides = array<i32>} : memref<3x128x128xf32, #tpu.memory_space<vmem>>, vector<1x1x16xf32>,
        %swap3A_543 = vector.shape_cast %swap3A_542 : vector<1x1x16xf32> to vector<16xf32>
        %swap3A_544 = vector.shape_cast %broadcast_in_dim3A_307 : vector<16xf32> to vector<1x1x16xf32>
        tpu.vector_store %arg13[%swap3A_539, %swap3A_540, %swap3A_541], %swap3A_544 {strides = array<i32>} : memref<3x128x128xf32, #tpu.memory_space<vmem>>, vector<1x1x16xf32>,
        %swap3A_545 = arith.constant 0 : i32
        %swap3A_546 = arith.index_cast %swap3A_545 : i32 to index
        %swap3A_547 = arith.index_cast %scan3A_496 : i32 to index
        %swap3A_548 = arith.constant 112 : index
        %swap3A_549 = tpu.vector_load %arg13[%swap3A_546, %swap3A_547, %swap3A_548] {strides = array<i32>} : memref<3x128x128xf32, #tpu.memory_space<vmem>>, vector<1x1x16xf32>,
        %swap3A_550 = vector.shape_cast %swap3A_549 : vector<1x1x16xf32> to vector<16xf32>
        %swap3A_551 = vector.shape_cast %broadcast_in_dim3A_307 : vector<16xf32> to vector<1x1x16xf32>
        tpu.vector_store %arg13[%swap3A_546, %swap3A_547, %swap3A_548], %swap3A_551 {strides = array<i32>} : memref<3x128x128xf32, #tpu.memory_space<vmem>>, vector<1x1x16xf32>,
      }
      %scan3A_313 = arith.constant 128 : i32
      %add3A_314 = arith.constant 2 : i32
      %add3A_315 = arith.addi %add3A_305, %add3A_314 : i32
      %dma_start3A_316 = arith.constant 0 : i32
      %dma_start3A_317 = arith.constant 0 : i32
      %dma_start3A_318 = arith.constant 0 : i32
      %dma_start3A_319 = arith.constant 0 : i32
      %dma_start3A_320 = arith.constant 0 : i32
      %dma_start3A_321 = tpu.memref_slice %arg13[%dma_start3A_318, %dma_start3A_319, %dma_start3A_320] : memref<3x128x128xf32, #tpu.memory_space<vmem>> -> memref<1x128x128xf32, #tpu.memory_space<vmem>>
      %dma_start3A_322 = tpu.memref_squeeze %dma_start3A_321 : memref<1x128x128xf32, #tpu.memory_space<vmem>> -> memref<128x128xf32, #tpu.memory_space<vmem>>
      %dma_start3A_323 = arith.constant 0 : i32
      %dma_start3A_324 = tpu.memref_slice %arg12[%dma_start3A_316, %add3A_315, %dma_start3A_317, %dma_start3A_323] : memref<3x50x1x128xi32, #tpu.memory_space<vmem>> -> memref<1x1x1x128xi32, #tpu.memory_space<vmem>>
      %dma_start3A_325 = tpu.memref_squeeze %dma_start3A_324 : memref<1x1x1x128xi32, #tpu.memory_space<vmem>> -> memref<128xi32, #tpu.memory_space<vmem>>
      %dma_start3A_326 = arith.constant 0 : i32
      %dma_start3A_327 = arith.constant 0 : i32
      %dma_start3A_328 = tpu.memref_slice %arg9[%dma_start3A_326, %dma_start3A_327] : memref<1024x128xf32, #tpu.memory_space<vmem_shared>> -> memref<1024x128xf32, #tpu.memory_space<vmem_shared>>
      tpu.enqueue_indirect_dma source(%dma_start3A_328 : memref<1024x128xf32, #tpu.memory_space<vmem_shared>>) target(%dma_start3A_322 : memref<128x128xf32, #tpu.memory_space<vmem>>) offsets(%dma_start3A_325 : memref<128xi32, #tpu.memory_space<vmem>>) semaphore(%arg14 : memref<!tpu.dma_semaphore, #tpu.memory_space<semaphore_mem>>) {add = true}
      %dma_start3A_329 = arith.constant 1 : i32
      %dma_start3A_330 = arith.constant 0 : i32
      %dma_start3A_331 = arith.constant 0 : i32
      %dma_start3A_332 = arith.constant 0 : i32
      %dma_start3A_333 = arith.constant 0 : i32
      %dma_start3A_334 = tpu.memref_slice %arg13[%dma_start3A_331, %dma_start3A_332, %dma_start3A_333] : memref<3x128x128xf32, #tpu.memory_space<vmem>> -> memref<1x128x128xf32, #tpu.memory_space<vmem>>
      %dma_start3A_335 = tpu.memref_squeeze %dma_start3A_334 : memref<1x128x128xf32, #tpu.memory_space<vmem>> -> memref<128x128xf32, #tpu.memory_space<vmem>>
      %dma_start3A_336 = arith.constant 0 : i32
      %dma_start3A_337 = tpu.memref_slice %arg12[%dma_start3A_329, %add3A_315, %dma_start3A_330, %dma_start3A_336] : memref<3x50x1x128xi32, #tpu.memory_space<vmem>> -> memref<1x1x1x128xi32, #tpu.memory_space<vmem>>
      %dma_start3A_338 = tpu.memref_squeeze %dma_start3A_337 : memref<1x1x1x128xi32, #tpu.memory_space<vmem>> -> memref<128xi32, #tpu.memory_space<vmem>>
      %dma_start3A_339 = arith.constant 0 : i32
      %dma_start3A_340 = arith.constant 0 : i32
      %dma_start3A_341 = tpu.memref_slice %arg10[%dma_start3A_339, %dma_start3A_340] : memref<1024x128xf32, #tpu.memory_space<vmem_shared>> -> memref<1024x128xf32, #tpu.memory_space<vmem_shared>>
      tpu.enqueue_indirect_dma source(%dma_start3A_341 : memref<1024x128xf32, #tpu.memory_space<vmem_shared>>) target(%dma_start3A_335 : memref<128x128xf32, #tpu.memory_space<vmem>>) offsets(%dma_start3A_338 : memref<128xi32, #tpu.memory_space<vmem>>) semaphore(%arg14 : memref<!tpu.dma_semaphore, #tpu.memory_space<semaphore_mem>>) {add = true}
      %dma_start3A_342 = arith.constant 2 : i32
      %dma_start3A_343 = arith.constant 0 : i32
      %dma_start3A_344 = arith.constant 0 : i32
      %dma_start3A_345 = arith.constant 0 : i32
      %dma_start3A_346 = arith.constant 0 : i32
      %dma_start3A_347 = tpu.memref_slice %arg13[%dma_start3A_344, %dma_start3A_345, %dma_start3A_346] : memref<3x128x128xf32, #tpu.memory_space<vmem>> -> memref<1x128x128xf32, #tpu.memory_space<vmem>>
      %dma_start3A_348 = tpu.memref_squeeze %dma_start3A_347 : memref<1x128x128xf32, #tpu.memory_space<vmem>> -> memref<128x128xf32, #tpu.memory_space<vmem>>
      %dma_start3A_349 = arith.constant 0 : i32
      %dma_start3A_350 = tpu.memref_slice %arg12[%dma_start3A_342, %add3A_315, %dma_start3A_343, %dma_start3A_349] : memref<3x50x1x128xi32, #tpu.memory_space<vmem>> -> memref<1x1x1x128xi32, #tpu.memory_space<vmem>>
      %dma_start3A_351 = tpu.memref_squeeze %dma_start3A_350 : memref<1x1x1x128xi32, #tpu.memory_space<vmem>> -> memref<128xi32, #tpu.memory_space<vmem>>
      %dma_start3A_352 = arith.constant 0 : i32
      %dma_start3A_353 = arith.constant 0 : i32
      %dma_start3A_354 = tpu.memref_slice %arg11[%dma_start3A_352, %dma_start3A_353] : memref<1024x128xf32, #tpu.memory_space<vmem_shared>> -> memref<1024x128xf32, #tpu.memory_space<vmem_shared>>
      tpu.enqueue_indirect_dma source(%dma_start3A_354 : memref<1024x128xf32, #tpu.memory_space<vmem_shared>>) target(%dma_start3A_348 : memref<128x128xf32, #tpu.memory_space<vmem>>) offsets(%dma_start3A_351 : memref<128xi32, #tpu.memory_space<vmem>>) semaphore(%arg14 : memref<!tpu.dma_semaphore, #tpu.memory_space<semaphore_mem>>) {add = true}
      %dma_wait3A_355 = arith.constant 0 : i32
      %dma_wait3A_356 = arith.constant 0 : i32
      %dma_wait3A_357 = arith.constant 1 : i32
      %dma_wait3A_358 = arith.constant 0 : i32
      %dma_wait3A_359 = arith.constant 0 : i32
      %dma_wait3A_360 = tpu.memref_slice %arg13[%dma_wait3A_357, %dma_wait3A_358, %dma_wait3A_359] : memref<3x128x128xf32, #tpu.memory_space<vmem>> -> memref<1x128x128xf32, #tpu.memory_space<vmem>>
      %dma_wait3A_361 = tpu.memref_squeeze %dma_wait3A_360 : memref<1x128x128xf32, #tpu.memory_space<vmem>> -> memref<128x128xf32, #tpu.memory_space<vmem>>
      %dma_wait3A_362 = arith.constant 0 : i32
      %dma_wait3A_363 = tpu.memref_slice %arg12[%dma_wait3A_355, %add3A_305, %dma_wait3A_356, %dma_wait3A_362] : memref<3x50x1x128xi32, #tpu.memory_space<vmem>> -> memref<1x1x1x128xi32, #tpu.memory_space<vmem>>
      %dma_wait3A_364 = tpu.memref_squeeze %dma_wait3A_363 : memref<1x1x1x128xi32, #tpu.memory_space<vmem>> -> memref<128xi32, #tpu.memory_space<vmem>>
      %dma_wait3A_365 = arith.constant 0 : i32
      %dma_wait3A_366 = arith.constant 0 : i32
      %dma_wait3A_367 = tpu.memref_slice %arg9[%dma_wait3A_365, %dma_wait3A_366] : memref<1024x128xf32, #tpu.memory_space<vmem_shared>> -> memref<1024x128xf32, #tpu.memory_space<vmem_shared>>
      tpu.wait_indirect_dma semaphore(%arg15 : memref<!tpu.dma_semaphore, #tpu.memory_space<semaphore_mem>>) src(%dma_wait3A_367 : memref<1024x128xf32, #tpu.memory_space<vmem_shared>>) dst(%dma_wait3A_361 : memref<128x128xf32, #tpu.memory_space<vmem>>)
      %dma_wait3A_368 = arith.constant 1 : i32
      %dma_wait3A_369 = arith.constant 0 : i32
      %dma_wait3A_370 = arith.constant 1 : i32
      %dma_wait3A_371 = arith.constant 0 : i32
      %dma_wait3A_372 = arith.constant 0 : i32
      %dma_wait3A_373 = tpu.memref_slice %arg13[%dma_wait3A_370, %dma_wait3A_371, %dma_wait3A_372] : memref<3x128x128xf32, #tpu.memory_space<vmem>> -> memref<1x128x128xf32, #tpu.memory_space<vmem>>
      %dma_wait3A_374 = tpu.memref_squeeze %dma_wait3A_373 : memref<1x128x128xf32, #tpu.memory_space<vmem>> -> memref<128x128xf32, #tpu.memory_space<vmem>>
      %dma_wait3A_375 = arith.constant 0 : i32
      %dma_wait3A_376 = tpu.memref_slice %arg12[%dma_wait3A_368, %add3A_305, %dma_wait3A_369, %dma_wait3A_375] : memref<3x50x1x128xi32, #tpu.memory_space<vmem>> -> memref<1x1x1x128xi32, #tpu.memory_space<vmem>>
      %dma_wait3A_377 = tpu.memref_squeeze %dma_wait3A_376 : memref<1x1x1x128xi32, #tpu.memory_space<vmem>> -> memref<128xi32, #tpu.memory_space<vmem>>
      %dma_wait3A_378 = arith.constant 0 : i32
      %dma_wait3A_379 = arith.constant 0 : i32
      %dma_wait3A_380 = tpu.memref_slice %arg10[%dma_wait3A_378, %dma_wait3A_379] : memref<1024x128xf32, #tpu.memory_space<vmem_shared>> -> memref<1024x128xf32, #tpu.memory_space<vmem_shared>>
      tpu.wait_indirect_dma semaphore(%arg15 : memref<!tpu.dma_semaphore, #tpu.memory_space<semaphore_mem>>) src(%dma_wait3A_380 : memref<1024x128xf32, #tpu.memory_space<vmem_shared>>) dst(%dma_wait3A_374 : memref<128x128xf32, #tpu.memory_space<vmem>>)
      %dma_wait3A_381 = arith.constant 2 : i32
      %dma_wait3A_382 = arith.constant 0 : i32
      %dma_wait3A_383 = arith.constant 1 : i32
      %dma_wait3A_384 = arith.constant 0 : i32
      %dma_wait3A_385 = arith.constant 0 : i32
      %dma_wait3A_386 = tpu.memref_slice %arg13[%dma_wait3A_383, %dma_wait3A_384, %dma_wait3A_385] : memref<3x128x128xf32, #tpu.memory_space<vmem>> -> memref<1x128x128xf32, #tpu.memory_space<vmem>>
      %dma_wait3A_387 = tpu.memref_squeeze %dma_wait3A_386 : memref<1x128x128xf32, #tpu.memory_space<vmem>> -> memref<128x128xf32, #tpu.memory_space<vmem>>
      %dma_wait3A_388 = arith.constant 0 : i32
      %dma_wait3A_389 = tpu.memref_slice %arg12[%dma_wait3A_381, %add3A_305, %dma_wait3A_382, %dma_wait3A_388] : memref<3x50x1x128xi32, #tpu.memory_space<vmem>> -> memref<1x1x1x128xi32, #tpu.memory_space<vmem>>
      %dma_wait3A_390 = tpu.memref_squeeze %dma_wait3A_389 : memref<1x1x1x128xi32, #tpu.memory_space<vmem>> -> memref<128xi32, #tpu.memory_space<vmem>>
      %dma_wait3A_391 = arith.constant 0 : i32
      %dma_wait3A_392 = arith.constant 0 : i32
      %dma_wait3A_393 = tpu.memref_slice %arg11[%dma_wait3A_391, %dma_wait3A_392] : memref<1024x128xf32, #tpu.memory_space<vmem_shared>> -> memref<1024x128xf32, #tpu.memory_space<vmem_shared>>
      tpu.wait_indirect_dma semaphore(%arg15 : memref<!tpu.dma_semaphore, #tpu.memory_space<semaphore_mem>>) src(%dma_wait3A_393 : memref<1024x128xf32, #tpu.memory_space<vmem_shared>>) dst(%dma_wait3A_387 : memref<128x128xf32, #tpu.memory_space<vmem>>)
      %mul3A_394 = arith.constant 50 : i32
      %mul3A_395 = arith.muli %add3A, %mul3A_394 : i32
      %add3A_396 = arith.addi %mul3A_395, %add3A_305 : i32
      %mul3A_397 = arith.constant 128 : i32
      %mul3A_398 = arith.muli %add3A_396, %mul3A_397 : i32
      %run_scoped3A_399 = arith.constant 1 : i32
      "tpu.region"() ({
        %run_scoped3A_496 = tpu.sem_alloc : memref<!tpu.dma_semaphore, #tpu.memory_space<semaphore_mem>>
        %dma_start3A_497 = arith.constant 0 : i32
        %dma_start3A_498 = arith.constant 0 : i32
        %dma_start3A_499 = tpu.memref_slice %arg13[%run_scoped3A_399, %dma_start3A_497, %dma_start3A_498] : memref<3x128x128xf32, #tpu.memory_space<vmem>> -> memref<1x128x128xf32, #tpu.memory_space<vmem>>
        %dma_start3A_500 = tpu.memref_squeeze %dma_start3A_499 : memref<1x128x128xf32, #tpu.memory_space<vmem>> -> memref<128x128xf32, #tpu.memory_space<vmem>>
        %dma_start3A_501 = arith.constant 0 : i32
        %dma_start3A_502 = tpu.memref_slice %arg8[%mul3A_398, %dma_start3A_501] : memref<204800x128xf32, #tpu.memory_space<hbm>> -> memref<128x128xf32, #tpu.memory_space<hbm>>
        %dma_start3A_503 = arith.constant 0 : i32
        %dma_start3A_504 = tpu.memref_slice %arg8[%mul3A_398, %dma_start3A_503] : memref<204800x128xf32, #tpu.memory_space<hbm>> -> memref<128x128xf32, #tpu.memory_space<hbm>>
        %dma_start3A_505 = arith.constant 0 : i32
        %dma_start3A_506 = arith.constant 0 : i32
        %dma_start3A_507 = tpu.memref_slice %arg13[%run_scoped3A_399, %dma_start3A_505, %dma_start3A_506] : memref<3x128x128xf32, #tpu.memory_space<vmem>> -> memref<1x128x128xf32, #tpu.memory_space<vmem>>
        %dma_start3A_508 = tpu.memref_squeeze %dma_start3A_507 : memref<1x128x128xf32, #tpu.memory_space<vmem>> -> memref<128x128xf32, #tpu.memory_space<vmem>>
        tpu.enqueue_dma source(%dma_start3A_508 : memref<128x128xf32, #tpu.memory_space<vmem>>) target(%dma_start3A_504 : memref<128x128xf32, #tpu.memory_space<hbm>>) target_semaphore(%run_scoped3A_496 : memref<!tpu.dma_semaphore, #tpu.memory_space<semaphore_mem>>)
        %dma_wait3A_509 = arith.constant 0 : i32
        %dma_wait3A_510 = arith.constant 0 : i32
        %dma_wait3A_511 = tpu.memref_slice %arg13[%run_scoped3A_399, %dma_wait3A_509, %dma_wait3A_510] : memref<3x128x128xf32, #tpu.memory_space<vmem>> -> memref<1x128x128xf32, #tpu.memory_space<vmem>>
        %dma_wait3A_512 = tpu.memref_squeeze %dma_wait3A_511 : memref<1x128x128xf32, #tpu.memory_space<vmem>> -> memref<128x128xf32, #tpu.memory_space<vmem>>
        %dma_wait3A_513 = arith.constant 0 : i32
        %dma_wait3A_514 = tpu.memref_slice %arg8[%mul3A_398, %dma_wait3A_513] : memref<204800x128xf32, #tpu.memory_space<hbm>> -> memref<128x128xf32, #tpu.memory_space<hbm>>
        %dma_wait3A_515 = arith.constant 0 : i32
        %dma_wait3A_516 = tpu.memref_slice %arg8[%mul3A_398, %dma_wait3A_515] : memref<204800x128xf32, #tpu.memory_space<hbm>> -> memref<128x128xf32, #tpu.memory_space<hbm>>
        %dma_wait3A_517 = arith.constant 0 : i32
        %dma_wait3A_518 = arith.constant 0 : i32
        %dma_wait3A_519 = tpu.memref_slice %arg13[%run_scoped3A_399, %dma_wait3A_517, %dma_wait3A_518] : memref<3x128x128xf32, #tpu.memory_space<vmem>> -> memref<1x128x128xf32, #tpu.memory_space<vmem>>
        %dma_wait3A_520 = tpu.memref_squeeze %dma_wait3A_519 : memref<1x128x128xf32, #tpu.memory_space<vmem>> -> memref<128x128xf32, #tpu.memory_space<vmem>>
        tpu.wait_dma2 semaphore(%run_scoped3A_496 : memref<!tpu.dma_semaphore, #tpu.memory_space<semaphore_mem>>) src(%dma_wait3A_520 : memref<128x128xf32, #tpu.memory_space<vmem>>) dst(%dma_wait3A_516 : memref<128x128xf32, #tpu.memory_space<hbm>>)
        tpu.yield
      }) : () -> ()
      %add3A_400 = arith.constant 2 : i32
      %add3A_401 = arith.addi %mul3A_207, %add3A_400 : i32
      %broadcast_in_dim3A_402 = arith.constant 0.000000e+00 : f32
      %broadcast_in_dim3A_403 = vector.broadcast %broadcast_in_dim3A_402 : f32 to vector<16xf32>
      %scan3A_404 = arith.constant 0 : i32
      %scan3A_405 = arith.constant 0 : i32
      %scan3A_406 = arith.constant 128 : i32
      %scan3A_407 = arith.addi %scan3A_405, %scan3A_406 : i32
      %scan3A_408 = arith.constant 1 : i32
      scf.for %scan3A_496 = %scan3A_405 to %scan3A_407 step %scan3A_408  : i32 {
        %swap3A = arith.constant 1 : i32
        %swap3A_497 = arith.index_cast %swap3A : i32 to index
        %swap3A_498 = arith.index_cast %scan3A_496 : i32 to index
        %swap3A_499 = arith.constant 0 : index
        %swap3A_500 = tpu.vector_load %arg13[%swap3A_497, %swap3A_498, %swap3A_499] {strides = array<i32>} : memref<3x128x128xf32, #tpu.memory_space<vmem>>, vector<1x1x16xf32>,
        %swap3A_501 = vector.shape_cast %swap3A_500 : vector<1x1x16xf32> to vector<16xf32>
        %swap3A_502 = vector.shape_cast %broadcast_in_dim3A_403 : vector<16xf32> to vector<1x1x16xf32>
        tpu.vector_store %arg13[%swap3A_497, %swap3A_498, %swap3A_499], %swap3A_502 {strides = array<i32>} : memref<3x128x128xf32, #tpu.memory_space<vmem>>, vector<1x1x16xf32>,
        %swap3A_503 = arith.constant 1 : i32
        %swap3A_504 = arith.index_cast %swap3A_503 : i32 to index
        %swap3A_505 = arith.index_cast %scan3A_496 : i32 to index
        %swap3A_506 = arith.constant 16 : index
        %swap3A_507 = tpu.vector_load %arg13[%swap3A_504, %swap3A_505, %swap3A_506] {strides = array<i32>} : memref<3x128x128xf32, #tpu.memory_space<vmem>>, vector<1x1x16xf32>,
        %swap3A_508 = vector.shape_cast %swap3A_507 : vector<1x1x16xf32> to vector<16xf32>
        %swap3A_509 = vector.shape_cast %broadcast_in_dim3A_403 : vector<16xf32> to vector<1x1x16xf32>
        tpu.vector_store %arg13[%swap3A_504, %swap3A_505, %swap3A_506], %swap3A_509 {strides = array<i32>} : memref<3x128x128xf32, #tpu.memory_space<vmem>>, vector<1x1x16xf32>,
        %swap3A_510 = arith.constant 1 : i32
        %swap3A_511 = arith.index_cast %swap3A_510 : i32 to index
        %swap3A_512 = arith.index_cast %scan3A_496 : i32 to index
        %swap3A_513 = arith.constant 32 : index
        %swap3A_514 = tpu.vector_load %arg13[%swap3A_511, %swap3A_512, %swap3A_513] {strides = array<i32>} : memref<3x128x128xf32, #tpu.memory_space<vmem>>, vector<1x1x16xf32>,
        %swap3A_515 = vector.shape_cast %swap3A_514 : vector<1x1x16xf32> to vector<16xf32>
        %swap3A_516 = vector.shape_cast %broadcast_in_dim3A_403 : vector<16xf32> to vector<1x1x16xf32>
        tpu.vector_store %arg13[%swap3A_511, %swap3A_512, %swap3A_513], %swap3A_516 {strides = array<i32>} : memref<3x128x128xf32, #tpu.memory_space<vmem>>, vector<1x1x16xf32>,
        %swap3A_517 = arith.constant 1 : i32
        %swap3A_518 = arith.index_cast %swap3A_517 : i32 to index
        %swap3A_519 = arith.index_cast %scan3A_496 : i32 to index
        %swap3A_520 = arith.constant 48 : index
        %swap3A_521 = tpu.vector_load %arg13[%swap3A_518, %swap3A_519, %swap3A_520] {strides = array<i32>} : memref<3x128x128xf32, #tpu.memory_space<vmem>>, vector<1x1x16xf32>,
        %swap3A_522 = vector.shape_cast %swap3A_521 : vector<1x1x16xf32> to vector<16xf32>
        %swap3A_523 = vector.shape_cast %broadcast_in_dim3A_403 : vector<16xf32> to vector<1x1x16xf32>
        tpu.vector_store %arg13[%swap3A_518, %swap3A_519, %swap3A_520], %swap3A_523 {strides = array<i32>} : memref<3x128x128xf32, #tpu.memory_space<vmem>>, vector<1x1x16xf32>,
        %swap3A_524 = arith.constant 1 : i32
        %swap3A_525 = arith.index_cast %swap3A_524 : i32 to index
        %swap3A_526 = arith.index_cast %scan3A_496 : i32 to index
        %swap3A_527 = arith.constant 64 : index
        %swap3A_528 = tpu.vector_load %arg13[%swap3A_525, %swap3A_526, %swap3A_527] {strides = array<i32>} : memref<3x128x128xf32, #tpu.memory_space<vmem>>, vector<1x1x16xf32>,
        %swap3A_529 = vector.shape_cast %swap3A_528 : vector<1x1x16xf32> to vector<16xf32>
        %swap3A_530 = vector.shape_cast %broadcast_in_dim3A_403 : vector<16xf32> to vector<1x1x16xf32>
        tpu.vector_store %arg13[%swap3A_525, %swap3A_526, %swap3A_527], %swap3A_530 {strides = array<i32>} : memref<3x128x128xf32, #tpu.memory_space<vmem>>, vector<1x1x16xf32>,
        %swap3A_531 = arith.constant 1 : i32
        %swap3A_532 = arith.index_cast %swap3A_531 : i32 to index
        %swap3A_533 = arith.index_cast %scan3A_496 : i32 to index
        %swap3A_534 = arith.constant 80 : index
        %swap3A_535 = tpu.vector_load %arg13[%swap3A_532, %swap3A_533, %swap3A_534] {strides = array<i32>} : memref<3x128x128xf32, #tpu.memory_space<vmem>>, vector<1x1x16xf32>,
        %swap3A_536 = vector.shape_cast %swap3A_535 : vector<1x1x16xf32> to vector<16xf32>
        %swap3A_537 = vector.shape_cast %broadcast_in_dim3A_403 : vector<16xf32> to vector<1x1x16xf32>
        tpu.vector_store %arg13[%swap3A_532, %swap3A_533, %swap3A_534], %swap3A_537 {strides = array<i32>} : memref<3x128x128xf32, #tpu.memory_space<vmem>>, vector<1x1x16xf32>,
        %swap3A_538 = arith.constant 1 : i32
        %swap3A_539 = arith.index_cast %swap3A_538 : i32 to index
        %swap3A_540 = arith.index_cast %scan3A_496 : i32 to index
        %swap3A_541 = arith.constant 96 : index
        %swap3A_542 = tpu.vector_load %arg13[%swap3A_539, %swap3A_540, %swap3A_541] {strides = array<i32>} : memref<3x128x128xf32, #tpu.memory_space<vmem>>, vector<1x1x16xf32>,
        %swap3A_543 = vector.shape_cast %swap3A_542 : vector<1x1x16xf32> to vector<16xf32>
        %swap3A_544 = vector.shape_cast %broadcast_in_dim3A_403 : vector<16xf32> to vector<1x1x16xf32>
        tpu.vector_store %arg13[%swap3A_539, %swap3A_540, %swap3A_541], %swap3A_544 {strides = array<i32>} : memref<3x128x128xf32, #tpu.memory_space<vmem>>, vector<1x1x16xf32>,
        %swap3A_545 = arith.constant 1 : i32
        %swap3A_546 = arith.index_cast %swap3A_545 : i32 to index
        %swap3A_547 = arith.index_cast %scan3A_496 : i32 to index
        %swap3A_548 = arith.constant 112 : index
        %swap3A_549 = tpu.vector_load %arg13[%swap3A_546, %swap3A_547, %swap3A_548] {strides = array<i32>} : memref<3x128x128xf32, #tpu.memory_space<vmem>>, vector<1x1x16xf32>,
        %swap3A_550 = vector.shape_cast %swap3A_549 : vector<1x1x16xf32> to vector<16xf32>
        %swap3A_551 = vector.shape_cast %broadcast_in_dim3A_403 : vector<16xf32> to vector<1x1x16xf32>
        tpu.vector_store %arg13[%swap3A_546, %swap3A_547, %swap3A_548], %swap3A_551 {strides = array<i32>} : memref<3x128x128xf32, #tpu.memory_space<vmem>>, vector<1x1x16xf32>,
      }
      %scan3A_409 = arith.constant 128 : i32
      %add3A_410 = arith.constant 2 : i32
      %add3A_411 = arith.addi %add3A_401, %add3A_410 : i32
      %dma_start3A_412 = arith.constant 0 : i32
      %dma_start3A_413 = arith.constant 0 : i32
      %dma_start3A_414 = arith.constant 1 : i32
      %dma_start3A_415 = arith.constant 0 : i32
      %dma_start3A_416 = arith.constant 0 : i32
      %dma_start3A_417 = tpu.memref_slice %arg13[%dma_start3A_414, %dma_start3A_415, %dma_start3A_416] : memref<3x128x128xf32, #tpu.memory_space<vmem>> -> memref<1x128x128xf32, #tpu.memory_space<vmem>>
      %dma_start3A_418 = tpu.memref_squeeze %dma_start3A_417 : memref<1x128x128xf32, #tpu.memory_space<vmem>> -> memref<128x128xf32, #tpu.memory_space<vmem>>
      %dma_start3A_419 = arith.constant 0 : i32
      %dma_start3A_420 = tpu.memref_slice %arg12[%dma_start3A_412, %add3A_411, %dma_start3A_413, %dma_start3A_419] : memref<3x50x1x128xi32, #tpu.memory_space<vmem>> -> memref<1x1x1x128xi32, #tpu.memory_space<vmem>>
      %dma_start3A_421 = tpu.memref_squeeze %dma_start3A_420 : memref<1x1x1x128xi32, #tpu.memory_space<vmem>> -> memref<128xi32, #tpu.memory_space<vmem>>
      %dma_start3A_422 = arith.constant 0 : i32
      %dma_start3A_423 = arith.constant 0 : i32
      %dma_start3A_424 = tpu.memref_slice %arg9[%dma_start3A_422, %dma_start3A_423] : memref<1024x128xf32, #tpu.memory_space<vmem_shared>> -> memref<1024x128xf32, #tpu.memory_space<vmem_shared>>
      tpu.enqueue_indirect_dma source(%dma_start3A_424 : memref<1024x128xf32, #tpu.memory_space<vmem_shared>>) target(%dma_start3A_418 : memref<128x128xf32, #tpu.memory_space<vmem>>) offsets(%dma_start3A_421 : memref<128xi32, #tpu.memory_space<vmem>>) semaphore(%arg15 : memref<!tpu.dma_semaphore, #tpu.memory_space<semaphore_mem>>) {add = true}
      %dma_start3A_425 = arith.constant 1 : i32
      %dma_start3A_426 = arith.constant 0 : i32
      %dma_start3A_427 = arith.constant 1 : i32
      %dma_start3A_428 = arith.constant 0 : i32
      %dma_start3A_429 = arith.constant 0 : i32
      %dma_start3A_430 = tpu.memref_slice %arg13[%dma_start3A_427, %dma_start3A_428, %dma_start3A_429] : memref<3x128x128xf32, #tpu.memory_space<vmem>> -> memref<1x128x128xf32, #tpu.memory_space<vmem>>
      %dma_start3A_431 = tpu.memref_squeeze %dma_start3A_430 : memref<1x128x128xf32, #tpu.memory_space<vmem>> -> memref<128x128xf32, #tpu.memory_space<vmem>>
      %dma_start3A_432 = arith.constant 0 : i32
      %dma_start3A_433 = tpu.memref_slice %arg12[%dma_start3A_425, %add3A_411, %dma_start3A_426, %dma_start3A_432] : memref<3x50x1x128xi32, #tpu.memory_space<vmem>> -> memref<1x1x1x128xi32, #tpu.memory_space<vmem>>
      %dma_start3A_434 = tpu.memref_squeeze %dma_start3A_433 : memref<1x1x1x128xi32, #tpu.memory_space<vmem>> -> memref<128xi32, #tpu.memory_space<vmem>>
      %dma_start3A_435 = arith.constant 0 : i32
      %dma_start3A_436 = arith.constant 0 : i32
      %dma_start3A_437 = tpu.memref_slice %arg10[%dma_start3A_435, %dma_start3A_436] : memref<1024x128xf32, #tpu.memory_space<vmem_shared>> -> memref<1024x128xf32, #tpu.memory_space<vmem_shared>>
      tpu.enqueue_indirect_dma source(%dma_start3A_437 : memref<1024x128xf32, #tpu.memory_space<vmem_shared>>) target(%dma_start3A_431 : memref<128x128xf32, #tpu.memory_space<vmem>>) offsets(%dma_start3A_434 : memref<128xi32, #tpu.memory_space<vmem>>) semaphore(%arg15 : memref<!tpu.dma_semaphore, #tpu.memory_space<semaphore_mem>>) {add = true}
      %dma_start3A_438 = arith.constant 2 : i32
      %dma_start3A_439 = arith.constant 0 : i32
      %dma_start3A_440 = arith.constant 1 : i32
      %dma_start3A_441 = arith.constant 0 : i32
      %dma_start3A_442 = arith.constant 0 : i32
      %dma_start3A_443 = tpu.memref_slice %arg13[%dma_start3A_440, %dma_start3A_441, %dma_start3A_442] : memref<3x128x128xf32, #tpu.memory_space<vmem>> -> memref<1x128x128xf32, #tpu.memory_space<vmem>>
      %dma_start3A_444 = tpu.memref_squeeze %dma_start3A_443 : memref<1x128x128xf32, #tpu.memory_space<vmem>> -> memref<128x128xf32, #tpu.memory_space<vmem>>
      %dma_start3A_445 = arith.constant 0 : i32
      %dma_start3A_446 = tpu.memref_slice %arg12[%dma_start3A_438, %add3A_411, %dma_start3A_439, %dma_start3A_445] : memref<3x50x1x128xi32, #tpu.memory_space<vmem>> -> memref<1x1x1x128xi32, #tpu.memory_space<vmem>>
      %dma_start3A_447 = tpu.memref_squeeze %dma_start3A_446 : memref<1x1x1x128xi32, #tpu.memory_space<vmem>> -> memref<128xi32, #tpu.memory_space<vmem>>
      %dma_start3A_448 = arith.constant 0 : i32
      %dma_start3A_449 = arith.constant 0 : i32
      %dma_start3A_450 = tpu.memref_slice %arg11[%dma_start3A_448, %dma_start3A_449] : memref<1024x128xf32, #tpu.memory_space<vmem_shared>> -> memref<1024x128xf32, #tpu.memory_space<vmem_shared>>
      tpu.enqueue_indirect_dma source(%dma_start3A_450 : memref<1024x128xf32, #tpu.memory_space<vmem_shared>>) target(%dma_start3A_444 : memref<128x128xf32, #tpu.memory_space<vmem>>) offsets(%dma_start3A_447 : memref<128xi32, #tpu.memory_space<vmem>>) semaphore(%arg15 : memref<!tpu.dma_semaphore, #tpu.memory_space<semaphore_mem>>) {add = true}
      %dma_wait3A_451 = arith.constant 0 : i32
      %dma_wait3A_452 = arith.constant 0 : i32
      %dma_wait3A_453 = arith.constant 2 : i32
      %dma_wait3A_454 = arith.constant 0 : i32
      %dma_wait3A_455 = arith.constant 0 : i32
      %dma_wait3A_456 = tpu.memref_slice %arg13[%dma_wait3A_453, %dma_wait3A_454, %dma_wait3A_455] : memref<3x128x128xf32, #tpu.memory_space<vmem>> -> memref<1x128x128xf32, #tpu.memory_space<vmem>>
      %dma_wait3A_457 = tpu.memref_squeeze %dma_wait3A_456 : memref<1x128x128xf32, #tpu.memory_space<vmem>> -> memref<128x128xf32, #tpu.memory_space<vmem>>
      %dma_wait3A_458 = arith.constant 0 : i32
      %dma_wait3A_459 = tpu.memref_slice %arg12[%dma_wait3A_451, %add3A_401, %dma_wait3A_452, %dma_wait3A_458] : memref<3x50x1x128xi32, #tpu.memory_space<vmem>> -> memref<1x1x1x128xi32, #tpu.memory_space<vmem>>
      %dma_wait3A_460 = tpu.memref_squeeze %dma_wait3A_459 : memref<1x1x1x128xi32, #tpu.memory_space<vmem>> -> memref<128xi32, #tpu.memory_space<vmem>>
      %dma_wait3A_461 = arith.constant 0 : i32
      %dma_wait3A_462 = arith.constant 0 : i32
      %dma_wait3A_463 = tpu.memref_slice %arg9[%dma_wait3A_461, %dma_wait3A_462] : memref<1024x128xf32, #tpu.memory_space<vmem_shared>> -> memref<1024x128xf32, #tpu.memory_space<vmem_shared>>
      tpu.wait_indirect_dma semaphore(%arg16 : memref<!tpu.dma_semaphore, #tpu.memory_space<semaphore_mem>>) src(%dma_wait3A_463 : memref<1024x128xf32, #tpu.memory_space<vmem_shared>>) dst(%dma_wait3A_457 : memref<128x128xf32, #tpu.memory_space<vmem>>)
      %dma_wait3A_464 = arith.constant 1 : i32
      %dma_wait3A_465 = arith.constant 0 : i32
      %dma_wait3A_466 = arith.constant 2 : i32
      %dma_wait3A_467 = arith.constant 0 : i32
      %dma_wait3A_468 = arith.constant 0 : i32
      %dma_wait3A_469 = tpu.memref_slice %arg13[%dma_wait3A_466, %dma_wait3A_467, %dma_wait3A_468] : memref<3x128x128xf32, #tpu.memory_space<vmem>> -> memref<1x128x128xf32, #tpu.memory_space<vmem>>
      %dma_wait3A_470 = tpu.memref_squeeze %dma_wait3A_469 : memref<1x128x128xf32, #tpu.memory_space<vmem>> -> memref<128x128xf32, #tpu.memory_space<vmem>>
      %dma_wait3A_471 = arith.constant 0 : i32
      %dma_wait3A_472 = tpu.memref_slice %arg12[%dma_wait3A_464, %add3A_401, %dma_wait3A_465, %dma_wait3A_471] : memref<3x50x1x128xi32, #tpu.memory_space<vmem>> -> memref<1x1x1x128xi32, #tpu.memory_space<vmem>>
      %dma_wait3A_473 = tpu.memref_squeeze %dma_wait3A_472 : memref<1x1x1x128xi32, #tpu.memory_space<vmem>> -> memref<128xi32, #tpu.memory_space<vmem>>
      %dma_wait3A_474 = arith.constant 0 : i32
      %dma_wait3A_475 = arith.constant 0 : i32
      %dma_wait3A_476 = tpu.memref_slice %arg10[%dma_wait3A_474, %dma_wait3A_475] : memref<1024x128xf32, #tpu.memory_space<vmem_shared>> -> memref<1024x128xf32, #tpu.memory_space<vmem_shared>>
      tpu.wait_indirect_dma semaphore(%arg16 : memref<!tpu.dma_semaphore, #tpu.memory_space<semaphore_mem>>) src(%dma_wait3A_476 : memref<1024x128xf32, #tpu.memory_space<vmem_shared>>) dst(%dma_wait3A_470 : memref<128x128xf32, #tpu.memory_space<vmem>>)
      %dma_wait3A_477 = arith.constant 2 : i32
      %dma_wait3A_478 = arith.constant 0 : i32
      %dma_wait3A_479 = arith.constant 2 : i32
      %dma_wait3A_480 = arith.constant 0 : i32
      %dma_wait3A_481 = arith.constant 0 : i32
      %dma_wait3A_482 = tpu.memref_slice %arg13[%dma_wait3A_479, %dma_wait3A_480, %dma_wait3A_481] : memref<3x128x128xf32, #tpu.memory_space<vmem>> -> memref<1x128x128xf32, #tpu.memory_space<vmem>>
      %dma_wait3A_483 = tpu.memref_squeeze %dma_wait3A_482 : memref<1x128x128xf32, #tpu.memory_space<vmem>> -> memref<128x128xf32, #tpu.memory_space<vmem>>
      %dma_wait3A_484 = arith.constant 0 : i32
      %dma_wait3A_485 = tpu.memref_slice %arg12[%dma_wait3A_477, %add3A_401, %dma_wait3A_478, %dma_wait3A_484] : memref<3x50x1x128xi32, #tpu.memory_space<vmem>> -> memref<1x1x1x128xi32, #tpu.memory_space<vmem>>
      %dma_wait3A_486 = tpu.memref_squeeze %dma_wait3A_485 : memref<1x1x1x128xi32, #tpu.memory_space<vmem>> -> memref<128xi32, #tpu.memory_space<vmem>>
      %dma_wait3A_487 = arith.constant 0 : i32
      %dma_wait3A_488 = arith.constant 0 : i32
      %dma_wait3A_489 = tpu.memref_slice %arg11[%dma_wait3A_487, %dma_wait3A_488] : memref<1024x128xf32, #tpu.memory_space<vmem_shared>> -> memref<1024x128xf32, #tpu.memory_space<vmem_shared>>
      tpu.wait_indirect_dma semaphore(%arg16 : memref<!tpu.dma_semaphore, #tpu.memory_space<semaphore_mem>>) src(%dma_wait3A_489 : memref<1024x128xf32, #tpu.memory_space<vmem_shared>>) dst(%dma_wait3A_483 : memref<128x128xf32, #tpu.memory_space<vmem>>)
      %mul3A_490 = arith.constant 50 : i32
      %mul3A_491 = arith.muli %add3A, %mul3A_490 : i32
      %add3A_492 = arith.addi %mul3A_491, %add3A_401 : i32
      %mul3A_493 = arith.constant 128 : i32
      %mul3A_494 = arith.muli %add3A_492, %mul3A_493 : i32
      %run_scoped3A_495 = arith.constant 2 : i32
      "tpu.region"() ({
        %run_scoped3A_496 = tpu.sem_alloc : memref<!tpu.dma_semaphore, #tpu.memory_space<semaphore_mem>>
        %dma_start3A_497 = arith.constant 0 : i32
        %dma_start3A_498 = arith.constant 0 : i32
        %dma_start3A_499 = tpu.memref_slice %arg13[%run_scoped3A_495, %dma_start3A_497, %dma_start3A_498] : memref<3x128x128xf32, #tpu.memory_space<vmem>> -> memref<1x128x128xf32, #tpu.memory_space<vmem>>
        %dma_start3A_500 = tpu.memref_squeeze %dma_start3A_499 : memref<1x128x128xf32, #tpu.memory_space<vmem>> -> memref<128x128xf32, #tpu.memory_space<vmem>>
        %dma_start3A_501 = arith.constant 0 : i32
        %dma_start3A_502 = tpu.memref_slice %arg8[%mul3A_494, %dma_start3A_501] : memref<204800x128xf32, #tpu.memory_space<hbm>> -> memref<128x128xf32, #tpu.memory_space<hbm>>
        %dma_start3A_503 = arith.constant 0 : i32
        %dma_start3A_504 = tpu.memref_slice %arg8[%mul3A_494, %dma_start3A_503] : memref<204800x128xf32, #tpu.memory_space<hbm>> -> memref<128x128xf32, #tpu.memory_space<hbm>>
        %dma_start3A_505 = arith.constant 0 : i32
        %dma_start3A_506 = arith.constant 0 : i32
        %dma_start3A_507 = tpu.memref_slice %arg13[%run_scoped3A_495, %dma_start3A_505, %dma_start3A_506] : memref<3x128x128xf32, #tpu.memory_space<vmem>> -> memref<1x128x128xf32, #tpu.memory_space<vmem>>
        %dma_start3A_508 = tpu.memref_squeeze %dma_start3A_507 : memref<1x128x128xf32, #tpu.memory_space<vmem>> -> memref<128x128xf32, #tpu.memory_space<vmem>>
        tpu.enqueue_dma source(%dma_start3A_508 : memref<128x128xf32, #tpu.memory_space<vmem>>) target(%dma_start3A_504 : memref<128x128xf32, #tpu.memory_space<hbm>>) target_semaphore(%run_scoped3A_496 : memref<!tpu.dma_semaphore, #tpu.memory_space<semaphore_mem>>)
        %dma_wait3A_509 = arith.constant 0 : i32
        %dma_wait3A_510 = arith.constant 0 : i32
        %dma_wait3A_511 = tpu.memref_slice %arg13[%run_scoped3A_495, %dma_wait3A_509, %dma_wait3A_510] : memref<3x128x128xf32, #tpu.memory_space<vmem>> -> memref<1x128x128xf32, #tpu.memory_space<vmem>>
        %dma_wait3A_512 = tpu.memref_squeeze %dma_wait3A_511 : memref<1x128x128xf32, #tpu.memory_space<vmem>> -> memref<128x128xf32, #tpu.memory_space<vmem>>
        %dma_wait3A_513 = arith.constant 0 : i32
        %dma_wait3A_514 = tpu.memref_slice %arg8[%mul3A_494, %dma_wait3A_513] : memref<204800x128xf32, #tpu.memory_space<hbm>> -> memref<128x128xf32, #tpu.memory_space<hbm>>
        %dma_wait3A_515 = arith.constant 0 : i32
        %dma_wait3A_516 = tpu.memref_slice %arg8[%mul3A_494, %dma_wait3A_515] : memref<204800x128xf32, #tpu.memory_space<hbm>> -> memref<128x128xf32, #tpu.memory_space<hbm>>
        %dma_wait3A_517 = arith.constant 0 : i32
        %dma_wait3A_518 = arith.constant 0 : i32
        %dma_wait3A_519 = tpu.memref_slice %arg13[%run_scoped3A_495, %dma_wait3A_517, %dma_wait3A_518] : memref<3x128x128xf32, #tpu.memory_space<vmem>> -> memref<1x128x128xf32, #tpu.memory_space<vmem>>
        %dma_wait3A_520 = tpu.memref_squeeze %dma_wait3A_519 : memref<1x128x128xf32, #tpu.memory_space<vmem>> -> memref<128x128xf32, #tpu.memory_space<vmem>>
        tpu.wait_dma2 semaphore(%run_scoped3A_496 : memref<!tpu.dma_semaphore, #tpu.memory_space<semaphore_mem>>) src(%dma_wait3A_520 : memref<128x128xf32, #tpu.memory_space<vmem>>) dst(%dma_wait3A_516 : memref<128x128xf32, #tpu.memory_space<hbm>>)
        tpu.yield
      }) : () -> ()
    }
    %scan3A_107 = arith.constant 16 : i32
    %dma_wait3A = arith.constant 0 : i32
    %dma_wait3A_108 = arith.constant 48 : i32
    %dma_wait3A_109 = arith.constant 0 : i32
    %dma_wait3A_110 = arith.constant 0 : i32
    %dma_wait3A_111 = arith.constant 0 : i32
    %dma_wait3A_112 = arith.constant 0 : i32
    %dma_wait3A_113 = tpu.memref_slice %arg13[%dma_wait3A_110, %dma_wait3A_111, %dma_wait3A_112] : memref<3x128x128xf32, #tpu.memory_space<vmem>> -> memref<1x128x128xf32, #tpu.memory_space<vmem>>
    %dma_wait3A_114 = tpu.memref_squeeze %dma_wait3A_113 : memref<1x128x128xf32, #tpu.memory_space<vmem>> -> memref<128x128xf32, #tpu.memory_space<vmem>>
    %dma_wait3A_115 = arith.constant 0 : i32
    %dma_wait3A_116 = tpu.memref_slice %arg12[%dma_wait3A, %dma_wait3A_108, %dma_wait3A_109, %dma_wait3A_115] : memref<3x50x1x128xi32, #tpu.memory_space<vmem>> -> memref<1x1x1x128xi32, #tpu.memory_space<vmem>>
    %dma_wait3A_117 = tpu.memref_squeeze %dma_wait3A_116 : memref<1x1x1x128xi32, #tpu.memory_space<vmem>> -> memref<128xi32, #tpu.memory_space<vmem>>
    %dma_wait3A_118 = arith.constant 0 : i32
    %dma_wait3A_119 = arith.constant 0 : i32
    %dma_wait3A_120 = tpu.memref_slice %arg9[%dma_wait3A_118, %dma_wait3A_119] : memref<1024x128xf32, #tpu.memory_space<vmem_shared>> -> memref<1024x128xf32, #tpu.memory_space<vmem_shared>>
    tpu.wait_indirect_dma semaphore(%arg14 : memref<!tpu.dma_semaphore, #tpu.memory_space<semaphore_mem>>) src(%dma_wait3A_120 : memref<1024x128xf32, #tpu.memory_space<vmem_shared>>) dst(%dma_wait3A_114 : memref<128x128xf32, #tpu.memory_space<vmem>>)
    %dma_wait3A_121 = arith.constant 1 : i32
    %dma_wait3A_122 = arith.constant 48 : i32
    %dma_wait3A_123 = arith.constant 0 : i32
    %dma_wait3A_124 = arith.constant 0 : i32
    %dma_wait3A_125 = arith.constant 0 : i32
    %dma_wait3A_126 = arith.constant 0 : i32
    %dma_wait3A_127 = tpu.memref_slice %arg13[%dma_wait3A_124, %dma_wait3A_125, %dma_wait3A_126] : memref<3x128x128xf32, #tpu.memory_space<vmem>> -> memref<1x128x128xf32, #tpu.memory_space<vmem>>
    %dma_wait3A_128 = tpu.memref_squeeze %dma_wait3A_127 : memref<1x128x128xf32, #tpu.memory_space<vmem>> -> memref<128x128xf32, #tpu.memory_space<vmem>>
    %dma_wait3A_129 = arith.constant 0 : i32
    %dma_wait3A_130 = tpu.memref_slice %arg12[%dma_wait3A_121, %dma_wait3A_122, %dma_wait3A_123, %dma_wait3A_129] : memref<3x50x1x128xi32, #tpu.memory_space<vmem>> -> memref<1x1x1x128xi32, #tpu.memory_space<vmem>>
    %dma_wait3A_131 = tpu.memref_squeeze %dma_wait3A_130 : memref<1x1x1x128xi32, #tpu.memory_space<vmem>> -> memref<128xi32, #tpu.memory_space<vmem>>
    %dma_wait3A_132 = arith.constant 0 : i32
    %dma_wait3A_133 = arith.constant 0 : i32
    %dma_wait3A_134 = tpu.memref_slice %arg10[%dma_wait3A_132, %dma_wait3A_133] : memref<1024x128xf32, #tpu.memory_space<vmem_shared>> -> memref<1024x128xf32, #tpu.memory_space<vmem_shared>>
    tpu.wait_indirect_dma semaphore(%arg14 : memref<!tpu.dma_semaphore, #tpu.memory_space<semaphore_mem>>) src(%dma_wait3A_134 : memref<1024x128xf32, #tpu.memory_space<vmem_shared>>) dst(%dma_wait3A_128 : memref<128x128xf32, #tpu.memory_space<vmem>>)
    %dma_wait3A_135 = arith.constant 2 : i32
    %dma_wait3A_136 = arith.constant 48 : i32
    %dma_wait3A_137 = arith.constant 0 : i32
    %dma_wait3A_138 = arith.constant 0 : i32
    %dma_wait3A_139 = arith.constant 0 : i32
    %dma_wait3A_140 = arith.constant 0 : i32
    %dma_wait3A_141 = tpu.memref_slice %arg13[%dma_wait3A_138, %dma_wait3A_139, %dma_wait3A_140] : memref<3x128x128xf32, #tpu.memory_space<vmem>> -> memref<1x128x128xf32, #tpu.memory_space<vmem>>
    %dma_wait3A_142 = tpu.memref_squeeze %dma_wait3A_141 : memref<1x128x128xf32, #tpu.memory_space<vmem>> -> memref<128x128xf32, #tpu.memory_space<vmem>>
    %dma_wait3A_143 = arith.constant 0 : i32
    %dma_wait3A_144 = tpu.memref_slice %arg12[%dma_wait3A_135, %dma_wait3A_136, %dma_wait3A_137, %dma_wait3A_143] : memref<3x50x1x128xi32, #tpu.memory_space<vmem>> -> memref<1x1x1x128xi32, #tpu.memory_space<vmem>>
    %dma_wait3A_145 = tpu.memref_squeeze %dma_wait3A_144 : memref<1x1x1x128xi32, #tpu.memory_space<vmem>> -> memref<128xi32, #tpu.memory_space<vmem>>
    %dma_wait3A_146 = arith.constant 0 : i32
    %dma_wait3A_147 = arith.constant 0 : i32
    %dma_wait3A_148 = tpu.memref_slice %arg11[%dma_wait3A_146, %dma_wait3A_147] : memref<1024x128xf32, #tpu.memory_space<vmem_shared>> -> memref<1024x128xf32, #tpu.memory_space<vmem_shared>>
    tpu.wait_indirect_dma semaphore(%arg14 : memref<!tpu.dma_semaphore, #tpu.memory_space<semaphore_mem>>) src(%dma_wait3A_148 : memref<1024x128xf32, #tpu.memory_space<vmem_shared>>) dst(%dma_wait3A_142 : memref<128x128xf32, #tpu.memory_space<vmem>>)
    %mul3A_149 = arith.constant 50 : i32
    %mul3A_150 = arith.muli %add3A, %mul3A_149 : i32
    %add3A_151 = arith.constant 48 : i32
    %add3A_152 = arith.addi %mul3A_150, %add3A_151 : i32
    %mul3A_153 = arith.constant 128 : i32
    %mul3A_154 = arith.muli %add3A_152, %mul3A_153 : i32
    %run_scoped3A_155 = arith.constant 0 : i32
    "tpu.region"() ({
      %run_scoped3A_205 = tpu.sem_alloc : memref<!tpu.dma_semaphore, #tpu.memory_space<semaphore_mem>>
      %dma_start3A_206 = arith.constant 0 : i32
      %dma_start3A_207 = arith.constant 0 : i32
      %dma_start3A_208 = tpu.memref_slice %arg13[%run_scoped3A_155, %dma_start3A_206, %dma_start3A_207] : memref<3x128x128xf32, #tpu.memory_space<vmem>> -> memref<1x128x128xf32, #tpu.memory_space<vmem>>
      %dma_start3A_209 = tpu.memref_squeeze %dma_start3A_208 : memref<1x128x128xf32, #tpu.memory_space<vmem>> -> memref<128x128xf32, #tpu.memory_space<vmem>>
      %dma_start3A_210 = arith.constant 0 : i32
      %dma_start3A_211 = tpu.memref_slice %arg8[%mul3A_154, %dma_start3A_210] : memref<204800x128xf32, #tpu.memory_space<hbm>> -> memref<128x128xf32, #tpu.memory_space<hbm>>
      %dma_start3A_212 = arith.constant 0 : i32
      %dma_start3A_213 = tpu.memref_slice %arg8[%mul3A_154, %dma_start3A_212] : memref<204800x128xf32, #tpu.memory_space<hbm>> -> memref<128x128xf32, #tpu.memory_space<hbm>>
      %dma_start3A_214 = arith.constant 0 : i32
      %dma_start3A_215 = arith.constant 0 : i32
      %dma_start3A_216 = tpu.memref_slice %arg13[%run_scoped3A_155, %dma_start3A_214, %dma_start3A_215] : memref<3x128x128xf32, #tpu.memory_space<vmem>> -> memref<1x128x128xf32, #tpu.memory_space<vmem>>
      %dma_start3A_217 = tpu.memref_squeeze %dma_start3A_216 : memref<1x128x128xf32, #tpu.memory_space<vmem>> -> memref<128x128xf32, #tpu.memory_space<vmem>>
      tpu.enqueue_dma source(%dma_start3A_217 : memref<128x128xf32, #tpu.memory_space<vmem>>) target(%dma_start3A_213 : memref<128x128xf32, #tpu.memory_space<hbm>>) target_semaphore(%run_scoped3A_205 : memref<!tpu.dma_semaphore, #tpu.memory_space<semaphore_mem>>)
      %dma_wait3A_218 = arith.constant 0 : i32
      %dma_wait3A_219 = arith.constant 0 : i32
      %dma_wait3A_220 = tpu.memref_slice %arg13[%run_scoped3A_155, %dma_wait3A_218, %dma_wait3A_219] : memref<3x128x128xf32, #tpu.memory_space<vmem>> -> memref<1x128x128xf32, #tpu.memory_space<vmem>>
      %dma_wait3A_221 = tpu.memref_squeeze %dma_wait3A_220 : memref<1x128x128xf32, #tpu.memory_space<vmem>> -> memref<128x128xf32, #tpu.memory_space<vmem>>
      %dma_wait3A_222 = arith.constant 0 : i32
      %dma_wait3A_223 = tpu.memref_slice %arg8[%mul3A_154, %dma_wait3A_222] : memref<204800x128xf32, #tpu.memory_space<hbm>> -> memref<128x128xf32, #tpu.memory_space<hbm>>
      %dma_wait3A_224 = arith.constant 0 : i32
      %dma_wait3A_225 = tpu.memref_slice %arg8[%mul3A_154, %dma_wait3A_224] : memref<204800x128xf32, #tpu.memory_space<hbm>> -> memref<128x128xf32, #tpu.memory_space<hbm>>
      %dma_wait3A_226 = arith.constant 0 : i32
      %dma_wait3A_227 = arith.constant 0 : i32
      %dma_wait3A_228 = tpu.memref_slice %arg13[%run_scoped3A_155, %dma_wait3A_226, %dma_wait3A_227] : memref<3x128x128xf32, #tpu.memory_space<vmem>> -> memref<1x128x128xf32, #tpu.memory_space<vmem>>
      %dma_wait3A_229 = tpu.memref_squeeze %dma_wait3A_228 : memref<1x128x128xf32, #tpu.memory_space<vmem>> -> memref<128x128xf32, #tpu.memory_space<vmem>>
      tpu.wait_dma2 semaphore(%run_scoped3A_205 : memref<!tpu.dma_semaphore, #tpu.memory_space<semaphore_mem>>) src(%dma_wait3A_229 : memref<128x128xf32, #tpu.memory_space<vmem>>) dst(%dma_wait3A_225 : memref<128x128xf32, #tpu.memory_space<hbm>>)
      tpu.yield
    }) : () -> ()
    %dma_wait3A_156 = arith.constant 0 : i32
    %dma_wait3A_157 = arith.constant 49 : i32
    %dma_wait3A_158 = arith.constant 0 : i32
    %dma_wait3A_159 = arith.constant 1 : i32
    %dma_wait3A_160 = arith.constant 0 : i32
    %dma_wait3A_161 = arith.constant 0 : i32
    %dma_wait3A_162 = tpu.memref_slice %arg13[%dma_wait3A_159, %dma_wait3A_160, %dma_wait3A_161] : memref<3x128x128xf32, #tpu.memory_space<vmem>> -> memref<1x128x128xf32, #tpu.memory_space<vmem>>
    %dma_wait3A_163 = tpu.memref_squeeze %dma_wait3A_162 : memref<1x128x128xf32, #tpu.memory_space<vmem>> -> memref<128x128xf32, #tpu.memory_space<vmem>>
    %dma_wait3A_164 = arith.constant 0 : i32
    %dma_wait3A_165 = tpu.memref_slice %arg12[%dma_wait3A_156, %dma_wait3A_157, %dma_wait3A_158, %dma_wait3A_164] : memref<3x50x1x128xi32, #tpu.memory_space<vmem>> -> memref<1x1x1x128xi32, #tpu.memory_space<vmem>>
    %dma_wait3A_166 = tpu.memref_squeeze %dma_wait3A_165 : memref<1x1x1x128xi32, #tpu.memory_space<vmem>> -> memref<128xi32, #tpu.memory_space<vmem>>
    %dma_wait3A_167 = arith.constant 0 : i32
    %dma_wait3A_168 = arith.constant 0 : i32
    %dma_wait3A_169 = tpu.memref_slice %arg9[%dma_wait3A_167, %dma_wait3A_168] : memref<1024x128xf32, #tpu.memory_space<vmem_shared>> -> memref<1024x128xf32, #tpu.memory_space<vmem_shared>>
    tpu.wait_indirect_dma semaphore(%arg15 : memref<!tpu.dma_semaphore, #tpu.memory_space<semaphore_mem>>) src(%dma_wait3A_169 : memref<1024x128xf32, #tpu.memory_space<vmem_shared>>) dst(%dma_wait3A_163 : memref<128x128xf32, #tpu.memory_space<vmem>>)
    %dma_wait3A_170 = arith.constant 1 : i32
    %dma_wait3A_171 = arith.constant 49 : i32
    %dma_wait3A_172 = arith.constant 0 : i32
    %dma_wait3A_173 = arith.constant 1 : i32
    %dma_wait3A_174 = arith.constant 0 : i32
    %dma_wait3A_175 = arith.constant 0 : i32
    %dma_wait3A_176 = tpu.memref_slice %arg13[%dma_wait3A_173, %dma_wait3A_174, %dma_wait3A_175] : memref<3x128x128xf32, #tpu.memory_space<vmem>> -> memref<1x128x128xf32, #tpu.memory_space<vmem>>
    %dma_wait3A_177 = tpu.memref_squeeze %dma_wait3A_176 : memref<1x128x128xf32, #tpu.memory_space<vmem>> -> memref<128x128xf32, #tpu.memory_space<vmem>>
    %dma_wait3A_178 = arith.constant 0 : i32
    %dma_wait3A_179 = tpu.memref_slice %arg12[%dma_wait3A_170, %dma_wait3A_171, %dma_wait3A_172, %dma_wait3A_178] : memref<3x50x1x128xi32, #tpu.memory_space<vmem>> -> memref<1x1x1x128xi32, #tpu.memory_space<vmem>>
    %dma_wait3A_180 = tpu.memref_squeeze %dma_wait3A_179 : memref<1x1x1x128xi32, #tpu.memory_space<vmem>> -> memref<128xi32, #tpu.memory_space<vmem>>
    %dma_wait3A_181 = arith.constant 0 : i32
    %dma_wait3A_182 = arith.constant 0 : i32
    %dma_wait3A_183 = tpu.memref_slice %arg10[%dma_wait3A_181, %dma_wait3A_182] : memref<1024x128xf32, #tpu.memory_space<vmem_shared>> -> memref<1024x128xf32, #tpu.memory_space<vmem_shared>>
    tpu.wait_indirect_dma semaphore(%arg15 : memref<!tpu.dma_semaphore, #tpu.memory_space<semaphore_mem>>) src(%dma_wait3A_183 : memref<1024x128xf32, #tpu.memory_space<vmem_shared>>) dst(%dma_wait3A_177 : memref<128x128xf32, #tpu.memory_space<vmem>>)
    %dma_wait3A_184 = arith.constant 2 : i32
    %dma_wait3A_185 = arith.constant 49 : i32
    %dma_wait3A_186 = arith.constant 0 : i32
    %dma_wait3A_187 = arith.constant 1 : i32
    %dma_wait3A_188 = arith.constant 0 : i32
    %dma_wait3A_189 = arith.constant 0 : i32
    %dma_wait3A_190 = tpu.memref_slice %arg13[%dma_wait3A_187, %dma_wait3A_188, %dma_wait3A_189] : memref<3x128x128xf32, #tpu.memory_space<vmem>> -> memref<1x128x128xf32, #tpu.memory_space<vmem>>
    %dma_wait3A_191 = tpu.memref_squeeze %dma_wait3A_190 : memref<1x128x128xf32, #tpu.memory_space<vmem>> -> memref<128x128xf32, #tpu.memory_space<vmem>>
    %dma_wait3A_192 = arith.constant 0 : i32
    %dma_wait3A_193 = tpu.memref_slice %arg12[%dma_wait3A_184, %dma_wait3A_185, %dma_wait3A_186, %dma_wait3A_192] : memref<3x50x1x128xi32, #tpu.memory_space<vmem>> -> memref<1x1x1x128xi32, #tpu.memory_space<vmem>>
    %dma_wait3A_194 = tpu.memref_squeeze %dma_wait3A_193 : memref<1x1x1x128xi32, #tpu.memory_space<vmem>> -> memref<128xi32, #tpu.memory_space<vmem>>
    %dma_wait3A_195 = arith.constant 0 : i32
    %dma_wait3A_196 = arith.constant 0 : i32
    %dma_wait3A_197 = tpu.memref_slice %arg11[%dma_wait3A_195, %dma_wait3A_196] : memref<1024x128xf32, #tpu.memory_space<vmem_shared>> -> memref<1024x128xf32, #tpu.memory_space<vmem_shared>>
    tpu.wait_indirect_dma semaphore(%arg15 : memref<!tpu.dma_semaphore, #tpu.memory_space<semaphore_mem>>) src(%dma_wait3A_197 : memref<1024x128xf32, #tpu.memory_space<vmem_shared>>) dst(%dma_wait3A_191 : memref<128x128xf32, #tpu.memory_space<vmem>>)
    %mul3A_198 = arith.constant 50 : i32
    %mul3A_199 = arith.muli %add3A, %mul3A_198 : i32
    %add3A_200 = arith.constant 49 : i32
    %add3A_201 = arith.addi %mul3A_199, %add3A_200 : i32
    %mul3A_202 = arith.constant 128 : i32
    %mul3A_203 = arith.muli %add3A_201, %mul3A_202 : i32
    %run_scoped3A_204 = arith.constant 1 : i32
    "tpu.region"() ({
      %run_scoped3A_205 = tpu.sem_alloc : memref<!tpu.dma_semaphore, #tpu.memory_space<semaphore_mem>>
      %dma_start3A_206 = arith.constant 0 : i32
      %dma_start3A_207 = arith.constant 0 : i32
      %dma_start3A_208 = tpu.memref_slice %arg13[%run_scoped3A_204, %dma_start3A_206, %dma_start3A_207] : memref<3x128x128xf32, #tpu.memory_space<vmem>> -> memref<1x128x128xf32, #tpu.memory_space<vmem>>
      %dma_start3A_209 = tpu.memref_squeeze %dma_start3A_208 : memref<1x128x128xf32, #tpu.memory_space<vmem>> -> memref<128x128xf32, #tpu.memory_space<vmem>>
      %dma_start3A_210 = arith.constant 0 : i32
      %dma_start3A_211 = tpu.memref_slice %arg8[%mul3A_203, %dma_start3A_210] : memref<204800x128xf32, #tpu.memory_space<hbm>> -> memref<128x128xf32, #tpu.memory_space<hbm>>
      %dma_start3A_212 = arith.constant 0 : i32
      %dma_start3A_213 = tpu.memref_slice %arg8[%mul3A_203, %dma_start3A_212] : memref<204800x128xf32, #tpu.memory_space<hbm>> -> memref<128x128xf32, #tpu.memory_space<hbm>>
      %dma_start3A_214 = arith.constant 0 : i32
      %dma_start3A_215 = arith.constant 0 : i32
      %dma_start3A_216 = tpu.memref_slice %arg13[%run_scoped3A_204, %dma_start3A_214, %dma_start3A_215] : memref<3x128x128xf32, #tpu.memory_space<vmem>> -> memref<1x128x128xf32, #tpu.memory_space<vmem>>
      %dma_start3A_217 = tpu.memref_squeeze %dma_start3A_216 : memref<1x128x128xf32, #tpu.memory_space<vmem>> -> memref<128x128xf32, #tpu.memory_space<vmem>>
      tpu.enqueue_dma source(%dma_start3A_217 : memref<128x128xf32, #tpu.memory_space<vmem>>) target(%dma_start3A_213 : memref<128x128xf32, #tpu.memory_space<hbm>>) target_semaphore(%run_scoped3A_205 : memref<!tpu.dma_semaphore, #tpu.memory_space<semaphore_mem>>)
      %dma_wait3A_218 = arith.constant 0 : i32
      %dma_wait3A_219 = arith.constant 0 : i32
      %dma_wait3A_220 = tpu.memref_slice %arg13[%run_scoped3A_204, %dma_wait3A_218, %dma_wait3A_219] : memref<3x128x128xf32, #tpu.memory_space<vmem>> -> memref<1x128x128xf32, #tpu.memory_space<vmem>>
      %dma_wait3A_221 = tpu.memref_squeeze %dma_wait3A_220 : memref<1x128x128xf32, #tpu.memory_space<vmem>> -> memref<128x128xf32, #tpu.memory_space<vmem>>
      %dma_wait3A_222 = arith.constant 0 : i32
      %dma_wait3A_223 = tpu.memref_slice %arg8[%mul3A_203, %dma_wait3A_222] : memref<204800x128xf32, #tpu.memory_space<hbm>> -> memref<128x128xf32, #tpu.memory_space<hbm>>
      %dma_wait3A_224 = arith.constant 0 : i32
      %dma_wait3A_225 = tpu.memref_slice %arg8[%mul3A_203, %dma_wait3A_224] : memref<204800x128xf32, #tpu.memory_space<hbm>> -> memref<128x128xf32, #tpu.memory_space<hbm>>
      %dma_wait3A_226 = arith.constant 0 : i32
      %dma_wait3A_227 = arith.constant 0 : i32
      %dma_wait3A_228 = tpu.memref_slice %arg13[%run_scoped3A_204, %dma_wait3A_226, %dma_wait3A_227] : memref<3x128x128xf32, #tpu.memory_space<vmem>> -> memref<1x128x128xf32, #tpu.memory_space<vmem>>
      %dma_wait3A_229 = tpu.memref_squeeze %dma_wait3A_228 : memref<1x128x128xf32, #tpu.memory_space<vmem>> -> memref<128x128xf32, #tpu.memory_space<vmem>>
      tpu.wait_dma2 semaphore(%run_scoped3A_205 : memref<!tpu.dma_semaphore, #tpu.memory_space<semaphore_mem>>) src(%dma_wait3A_229 : memref<128x128xf32, #tpu.memory_space<vmem>>) dst(%dma_wait3A_225 : memref<128x128xf32, #tpu.memory_space<hbm>>)
      tpu.yield
    }) : () -> ()
    return
  }
}

</mosaic_0001>

<sc_bundles>
// kernel: kernel.3.cloned.1.call-start
scs
__scs_entry_jumppad:
0x0: {  	(pc) =	sbr.rel $0x88, $3  }
0x1: {  	(tag) =	ssettag $0x0;
	lr =	simm.s32 $0x1  }
0x2: {  	[smem:$0x3F9D] =	sst lr;
	_ =	strace $0xD0000000  }
0x3: {  	_ = 	snop  }
0x4: {  	_ = 	snop  }
0x5: {  	_ = 	snop  }
0x6: {  	_ = 	snop  }
0x7: {  	_ = 	snop  }
__scs_overlays_trampoline_lowered:
0x8: {  	[smem:$0x3FAC] =	sst s0  }
0x9: {  	[smem:$0x3FAD] =	sst s1  }
0xa: {  	[smem:$0x3FAE] =	sst s2  }
0xb: {  	[smem:$0x3FAF] =	sst s3  }
0xc: {  	[smem:$0x3FB0] =	sst s4  }
0xd: {  	[smem:$0x3FB1] =	sst s5  }
0xe: {  	[smem:$0x3FB2] =	sst s6  }
0xf: {  	[smem:$0x3FB3] =	sst s7  }
0x10: {  	[smem:$0x3FB4] =	sst s8  }
0x11: {  	[smem:$0x3FB5] =	sst s9;
	s0 =	simm.s32 @!p0 $0x0  }
0x12: {  	s1 =	sld [smem:$0x3F9B];
	s0 =	simm.s32 @p0 $0x1  }
0x13: {  	[smem:$0x3FB6] =	sst s0;
	s0 =	simm.s32 @!p1 $0x0  }
0x14: {  	s2 =	sld [smem:$0x3F9A];
	s0 =	simm.s32 @p1 $0x1  }
0x15: {  	[smem:$0x3FB7] =	sst s0;
	s0 =	simm.s32 @!p2 $0x0  }
0x16: {  	s3 =	sld [smem:$0x3FDB];
	s0 =	simm.s32 @p2 $0x1  }
0x17: {  	s4 =	simm.s32 $0x1BF5;
	[smem:$0x3FB9] =	sst s0  }
0x18: {  	s0 =	sld [smem:$0x3F9C];
	_ =	swait.ge [sflag:s4], $0x0  }
0x19: {  	s7 =	sld [smem:$0x3F9D]  }
0x1a: {  	s8 =	sadd.s32 $0xFFFFE003, lr  }
0x1b: {  	s9 =	sadd.s32 $0xFFFFFEF7, lr;
	s5 =	simm.s32 $0xFFFFFFFF;
	p2 =	slt.u32 s8, $0xFFFFF086  }
0x1c: {  	p1 =	slt.u32 s9, $0xF7A;
	s5 =	simm.s32 @!p2 $0x0  }
0x1d: {  	s5 =	simm.s32 @p1 $0x1;
	p0 =	seq.s32 s7, s2  }
0x1e: {  	s7 =	smul.u32 @!p0 $0xF7A, s2;
	p2 =	seq.s32 @!p0 s5, $0x0  }
0x1f: {  	s9 =	smul.u32 $0xF7A, s1;
	s8 =	simm.s32 @!p0 $0x1BF5;
	p2 =	por !p2, p0  }
0x20: {  	[sflag:s8] =	ssyncset.s32 @!p0 $0xFFFFF086;
	s6 =	sadd.s32 @!p0 s3, s7;
	s7 =	simm.s32 @!p0 $0x108  }
0x21: {  	s3 =	sadd.s32 s3, s9;
	s6 =	sadd.s32 @!p0 $0x88, s6;
	s7 =	simm.s32 @p2 $0x1082  }
0x22: {  	[simem:s7], [sflag:s8] =	dma.local @!p0 [hbm:s6], $0xF7A  }
0x23: {  	s9 =	sor.u32 $0xD0000000, s2;
	s6 =	simm.s32 $0x108;
	_ =	swait.ge @!p0 [sflag:s8], $0x0  }
0x24: {  	s3 =	sadd.s32 $0x88, s3;
	s6 =	simm.s32 @!p1 $0x1082;
	[sflag:s4] =	ssyncset.s32 $0xFFFFF086  }
0x25: {  	[simem:s6], [sflag:s4] =	dma.local [hbm:s3], $0xF7A  }
0x26: {  	[smem:$0x3F9D] =	sst s1;
	(tag) =	ssettag s2;
	_ =	strace s9  }
0x27: {  	s1 =	sld [smem:$0x3FAD]  }
0x28: {  	s2 =	sld [smem:$0x3FAE]  }
0x29: {  	s4 =	sld [smem:$0x3FB0]  }
0x2a: {  	p0 =	seq.s32 s5, $0x0;
	s5 =	sld [smem:$0x3FB1]  }
0x2b: {  	s6 =	sld [smem:$0x3FB2]  }
0x2c: {  	s7 =	sld [smem:$0x3FB3]  }
0x2d: {  	s3 =	simm.s32 $0x108;
	s8 =	sld [smem:$0x3FB4]  }
0x2e: {  	s3 =	simm.s32 @!p0 $0x1082;
	s9 =	sld [smem:$0x3FB5]  }
0x2f: {  	lr =	sadd.s32 s0, s3;
	s0 =	sld [smem:$0x3FAC]  }
0x30: {  	s3 =	sld [smem:$0x3FAF]  }
0x31: {  	[smem:$0x3FB8] =	sst s10  }
0x32: {  	s10 =	sld [smem:$0x3FB6];
	_ =	sdelay $0x3  }
0x33: {  	p0 =	seq.s32 s10, $0x1;
	s10 =	sld [smem:$0x3FB8];
	_ =	sdelay $0x3  }
0x34: {  	[smem:$0x3FB8] =	sst s10  }
0x35: {  	s10 =	sld [smem:$0x3FB7];
	_ =	sdelay $0x3  }
0x36: {  	p1 =	seq.s32 s10, $0x1;
	s10 =	sld [smem:$0x3FB8];
	_ =	sdelay $0x3  }
0x37: {  	[smem:$0x3FB8] =	sst s10  }
0x38: {  	s10 =	sld [smem:$0x3FB9]  }
0x39: {  	_ = 	snop;
	(pc) =	sbr.ind lr, $3  }
0x3a: {  	_ = 	snop  }
0x3b: {  	_ = 	snop  }
0x3c: {  	p2 =	seq.s32 s10, $0x1;
	s10 =	sld [smem:$0x3FB8]  }
0x3d: {  	_ =	shalt  }
0x3e: {  	_ =	shalt  }
0x3f: {  	_ =	shalt  }
0x40: {  	_ =	shalt  }
0x41: {  	_ =	shalt  }
0x42: {  	_ =	shalt  }
0x43: {  	_ =	shalt  }
0x44: {  	_ =	shalt  }
0x45: {  	_ =	shalt  }
0x46: {  	_ =	shalt  }
0x47: {  	_ =	shalt  }
0x48: {  	_ =	shalt  }
0x49: {  	_ =	shalt  }
0x4a: {  	_ =	shalt  }
0x4b: {  	_ =	shalt  }
0x4c: {  	_ =	shalt  }
0x4d: {  	_ =	shalt  }
0x4e: {  	_ =	shalt  }
0x4f: {  	_ =	shalt  }
0x50: {  	_ =	shalt  }
0x51: {  	_ =	shalt  }
0x52: {  	_ =	shalt  }
0x53: {  	_ =	shalt  }
0x54: {  	_ =	shalt  }
0x55: {  	_ =	shalt  }
0x56: {  	_ =	shalt  }
0x57: {  	_ =	shalt  }
0x58: {  	_ =	shalt  }
0x59: {  	_ =	shalt  }
0x5a: {  	_ =	shalt  }
0x5b: {  	_ =	shalt  }
0x5c: {  	_ =	shalt  }
0x5d: {  	_ =	shalt  }
0x5e: {  	_ =	shalt  }
0x5f: {  	_ =	shalt  }
0x60: {  	_ =	shalt  }
0x61: {  	_ =	shalt  }
0x62: {  	_ =	shalt  }
0x63: {  	_ =	shalt  }
0x64: {  	_ =	shalt  }
0x65: {  	_ =	shalt  }
0x66: {  	_ =	shalt  }
0x67: {  	_ =	shalt  }
0x68: {  	_ =	shalt  }
0x69: {  	_ =	shalt  }
0x6a: {  	_ =	shalt  }
0x6b: {  	_ =	shalt  }
0x6c: {  	_ =	shalt  }
0x6d: {  	_ =	shalt  }
0x6e: {  	_ =	shalt  }
0x6f: {  	_ =	shalt  }
0x70: {  	_ =	shalt  }
0x71: {  	_ =	shalt  }
0x72: {  	_ =	shalt  }
0x73: {  	_ =	shalt  }
0x74: {  	_ =	shalt  }
0x75: {  	_ =	shalt  }
0x76: {  	_ =	shalt  }
0x77: {  	_ =	shalt  }
0x78: {  	_ =	shalt  }
0x79: {  	_ =	shalt  }
0x7a: {  	_ =	shalt  }
0x7b: {  	_ =	shalt  }
0x7c: {  	_ =	shalt  }
0x7d: {  	_ =	shalt  }
0x7e: {  	_ =	shalt  }
0x7f: {  	_ =	shalt  }
0x80: {  	_ =	shalt  }
0x81: {  	_ =	shalt  }
0x82: {  	_ =	shalt  }
0x83: {  	_ =	shalt  }
0x84: {  	_ =	shalt  }
0x85: {  	_ =	shalt  }
0x86: {  	_ =	shalt  }
0x87: {  	_ =	shalt  }
.Lfunc_end0:
.L_simem_size_0:
called_computation_lowered:
.L_overlay_start_0:
0x88: {  	s2 =	sld [smem:$0x3FD9]  }
0x89: {  	s3 =	sld [smem:$0x3FFE];
	_ =	sdelay $0x1  }
0x8a: {  	s1 =	srdreg.scid  }
0x8b: {  	s0 =	sand.u32 $0x1, s1  }
0x8c: {  	s17 =	sshll.u32 s0, $0xA;
	s2 =	sadd.s32 s3, s2  }
0x8d: {  	s2 =	sadd.s32 s2, s17  }
0x8e: {  	[smem:$0x3FC4] =	sst s2  }
0x8f: {  	_ = 	snop  }
0x90: {  	s2 =	sld [smem:$0x3FC8]  }
0x91: {  	s18 =	sld [smem:$0x3FC7]  }
0x92: {  	s4 =	sld [smem:$0x3FC6]  }
0x93: {  	s5 =	sld [smem:$0x3FD0];
	(tm) =	ssettm $0x1  }
0x94: {  	s6 =	sld [smem:$0x3FFB];
	_ =	sdelay $0x3  }
0x95: {  	_ =	strace s6  }
0x96: {  	s6 =	sld [smem:$0x3FFC];
	_ =	sdelay $0x3  }
0x97: {  	_ =	strace s6  }
0x98: {  	s6 =	sld [smem:$0x3FFD];
	_ =	sdelay $0x3  }
0x99: {  	_ =	strace s6  }
0x9a: {  	_ =	strace $0x8FFFFFFF  }
0x9b: {  	s19 =	sld [smem:$0x3FDB];
	_ =	sdelay $0x1  }
0x9c: {  	s7 =	simm.s32 $_scs_section_size  }
0x9d: {  	s8 =	simm.s32 $_size__tile_overlayer_lowered;
	s9 =	simm.s32 $_tile_overlayer_lowered  }
0x9e: {  	s22 =	simm.s32 $0x1BFF;
	s21 =	sshll.u32 s9, $0x1;
	s6 =	sadd.s32 s7, s19  }
0x9f: {  	s10 =	simm.s32 $0x0;
	s20 =	sshll.u32 s8, $0x1;
	s8 =	sadd.s32 s21, s6  }
0xa0: {  	[timem:s10], [sflag:s22] =	dma.local [hbm:s8], s20  }
0xa1: {  	_ =	swait.ge [sflag:s22], s20  }
0xa2: {  	s7 =	ssub.s32 $0x0, s20;
	[sflag:s22] =	ssyncset.done $0x0  }
0xa3: {  	[sflag:s22] =	ssyncadd.s32 s7;
	_ =	sdelay $0x1  }
0xa4: {  	s23 =	simm.s32 $0x1B8B  }
0xa5: {  	_ =	swait.ge [sflag:s23], $0x1  }
0xa6: {  	[sflag:s23] =	ssyncset.done $0x0  }
0xa7: {  	s25 =	simm.s32 $0x1B8E;
	s24 =	sld [smem:$0x3FFE];
	[sflag:s23] =	ssyncadd.s32 $0xFFFFFFFF  }
0xa8: {  	s26 =	simm.s32 $execute0_lowered;
	[smem:$0x3FD2] =	sst s25  }
0xa9: {  	s8 =	sshll.u32 s26, $0x1;
	_ =	strace $0x80000046;
	[dreg:$0x1] =	wrdreg $0xFFFFFFFF  }
0xaa: {  	s28 =	simm.s32 $_size_execute0_lowered;
	s6 =	sadd.s32 s6, s8;
	[dreg:$0x0] =	wrdreg $0x0  }
0xab: {  	s8 =	sshll.u32 s28, $0x1;
	[dreg:$0x2] =	wrdreg s6  }
0xac: {  	[dreg:$0x3] =	wrdreg s8  }
0xad: {  	[dreg:$0x4] =	wrdreg $0xC0  }
0xae: {  	_ =	task [dreg:s10], $0x5FFFF  }
0xaf: {  	[dreg:$0x1] =	wrdreg $0xFFFFFFFF  }
0xb0: {  	[dreg:$0x0] =	wrdreg $0x60  }
0xb1: {  	[dreg:$0x2] =	wrdreg s2  }
0xb2: {  	[dreg:$0x3] =	wrdreg s18  }
0xb3: {  	[dreg:$0x4] =	wrdreg s4  }
0xb4: {  	[dreg:$0x5] =	wrdreg s24  }
0xb5: {  	[dreg:$0x6] =	wrdreg s5  }
0xb6: {  	[dreg:$0x7] =	wrdreg $0x0  }
0xb7: {  	[dreg:$0x8] =	wrdreg $0x20000  }
0xb8: {  	[dreg:$0x9] =	wrdreg $0x40000  }
0xb9: {  	[dreg:$0xa] =	wrdreg $0x9  }
0xba: {  	_ =	task.clear_ibuf [dreg:s10], $0xBFFFF;
	_ =	strace $0x90000046  }
0xbb: {  	s29 =	simm.s32 $0x9;
	_ =	strace $0x80000048  }
0xbc: {  	_ =	swait.ge [sflag:s29], $0x1  }
0xbd: {  	[sflag:s29] =	ssyncadd.s32 $0xFFFFFFFF  }
0xbe: {  	_ =	strace $0x90000048  }
0xbf: {  	_ =	sfence  }
0xc0: {  	s30 =	sld [smem:$0x0];
	_ =	sdelay $0x2  }
0xc1: {  	s31 =	sshll.u32 s1, $0xD;
	s1 =	sshrl.u32 s1, $0x2  }
0xc2: {  	s3 =	sand.u32 $0x4000, s31;
	s1 =	sadd.s32 s1, s30  }
0xc3: {  	s0 =	sor.u32 s3, s0;
	s1 =	sshll.u32 s1, $0x11  }
0xc4: {  	s0 =	sor.u32 s1, s0  }
0xc5: {  	s0 =	sadd.s32 $0x8F2B, s0  }
0xc6: {  	[sflag:s0] =	ssyncadd.remote.s32 $0x1  }
0xc7: {  	_ =	sfence.sel $0xFFFF  }
0xc8: {  	[dreg:$0x0] =	wrdreg $0xFFFFFFFF;
	(pc) =	sbr.abs _section_cstart, $3  }
0xc9: {  	[dreg:$0x1] =	wrdreg $0xFFFFFFFF  }
0xca: {  	_ =	task.clear_ibuf [dreg:s10], $0x2FFFF;
	_ =	strace $0x9FFFFFFF  }
0xcb: {  	(tm) =	ssettm $0x7FFFFFFF  }
tec
execute0_lowered:
.L_overlay_start_1:
0x0: {  	(tag) =	ssettag $0x1  }
0x1: {  	s0 =	rddreg [dreg:$0x3]  }
0x2: {  	s3 =	rddreg [dreg:$0x4]  }
0x3: {  	s4 =	rddreg [dreg:$0x5]  }
0x4: {  	s1 =	srdreg.scid;
	s6 =	rddreg [dreg:$0x6]  }
0x5: {  	s2 =	stileid.u32;
	s7 =	rddreg [dreg:$0x7];
	s8 =	simm.s32 $0x0  }
0x6: {  	s20 =	simm.s32 $0x6000;
	s21 =	simm.s32 $0x4;
	s22 =	simm.s32 $0x7900  }
0x7: {  	s23 =	simm.s32 $0x9200;
	s24 =	simm.s32 $0x80;
	s28 =	simm.s32 $0xEB00  }
0x8: {  	s31 =	simm.s32 $0x12B00;
	s1 =	sand.u32 $0x1, s1;
	s5 =	sshll.u32 s2, $0x1  }
0x9: {  	[smem:$0x7FF] =	sst s8;
	p0 =	sne.s32 s2, $0x0;
	s2 =	simm.s32 $0x0  }
0xa: {  	s5 =	sor.u32 s1, s5;
	s1 =	ssub.s32 $0x2, s1;
	_ =	strace $0x80000047  }
0xb: {  	s17 =	sshrl.u32 @!p0 s4, $0x3;
	s18 =	sshrl.u32 @!p0 s6, $0x3;
	s9 =	smul.u32 $0x320, s5  }
0xc: {  	s19 =	sshrl.u32 @!p0 s7, $0x3;
	s10 =	smul.u32 $0xC8000, s5;
	s25 =	sshrl.u32 s1, $0x1  }
0xd: {  	s1 =	ssub.s32 s1, s25;
	s25 =	simm.s32 $0xAB00;
	s0 =	sadd.s32 s9, s0  }
0xe: {  	s9 =	smul.u32 $0x32, s5;
	s26 =	sshrl.u32 s10, $0x3;
	s16 =	smax.u32 s1, $0x1  }
0xf: {  	s1 =	simm.s32 $0x3;
	s29 =	sadd.s32 $0xCE00, s0;
	s30 =	sadd.s32 $0x6A00, s0  }
0x10: {  	s5 =	sadd.s32 s3, s26;
	s12 =	sadd.s32 $0x600, s0;
	[dreg:$0x9] =	wrdreg s29  }
0x11: {  	s0 =	simm.s32 $0x2;
	[dreg:$0xa] =	wrdreg s30;
	s13 =	sor.u32 $0x1, s9  }
0x12: {  	v0 =	vimm.f32 $0.0e+00;
	s14 =	sadd.s32 $0x18000, s5;
	s15 =	sadd.s32 $0x18800, s5;
	s5 =	simm.s32 $0x1  }
.LBB2_1:
0x13: {  	s10 =	simm.s32 @!p0 $0x1C04;
	s11 =	rddreg [dreg:$0x0]  }
0x14: {  	[spmem:s17], [sflag:s10] =	dma.local @!p0 [hbm:s11], $0x4000  }
0x15: {  	s11 =	simm.s32 @!p0 $0x4  }
0x16: {  	_ =	swait.ge @!p0 [sflag:s11], $0x4000  }
0x17: {  	[sflag:s11] =	ssyncset.done @!p0 $0x0  }
0x18: {  	[sflag:s11] =	ssyncadd.s32 @!p0 $0xFFFFC000  }
0x19: {  	s26 =	rddreg [dreg:$0x1]  }
0x1a: {  	[spmem:s18], [sflag:s10] =	dma.local @!p0 [hbm:s26], $0x4000  }
0x1b: {  	_ =	swait.ge @!p0 [sflag:s11], $0x4000  }
0x1c: {  	[sflag:s11] =	ssyncset.done @!p0 $0x0  }
0x1d: {  	[sflag:s11] =	ssyncadd.s32 @!p0 $0xFFFFC000  }
0x1e: {  	s26 =	rddreg [dreg:$0x2]  }
0x1f: {  	[spmem:s19], [sflag:s10] =	dma.local @!p0 [hbm:s26], $0x4000  }
0x20: {  	_ =	swait.ge @!p0 [sflag:s11], $0x4000  }
0x21: {  	[sflag:s11] =	ssyncset.done @!p0 $0x0  }
0x22: {  	[sflag:s11] =	ssyncadd.s32 @!p0 $0xFFFFC000  }
0x23: {  	[bflag:$0x0] =	sbarrier.arrive $0xFFFF  }
0x24: {  	s29 =	rddreg [dreg:$0x9]  }
0x25: {  	[tilespmem:s20], [sflag:$0x4] =	stream.linear.gather [hbm4b:s29+s8], $0x1900, $0x38;
	[tilespmem:$0x16B00] =	vst v63  }
0x26: {  	_ =	swait.ge [sflag:s21], $0x1900  }
0x27: {  	[sflag:s21] =	ssyncset.done $0x0  }
0x28: {  	s30 =	rddreg [dreg:$0xa];
	[sflag:s21] =	ssyncadd.s32 $0xFFFFE700  }
0x29: {  	[tilespmem:s22], [sflag:$0x4] =	stream.linear.gather [hbm4b:s30+s8], $0x1900, $0x38;
	[tilespmem:$0x16B00] =	vst v63  }
0x2a: {  	_ =	swait.ge [sflag:s21], $0x1900  }
0x2b: {  	[sflag:s21] =	ssyncset.done $0x0  }
0x2c: {  	[sflag:s21] =	ssyncadd.s32 $0xFFFFE700  }
0x2d: {  	[tilespmem:s23], [sflag:$0x4] =	stream.linear.gather [hbm4b:s12+s8], $0x1900, $0x38;
	[tilespmem:$0x16B00] =	vst v63  }
0x2e: {  	_ =	swait.ge [sflag:s21], $0x1900  }
0x2f: {  	[sflag:s21] =	ssyncset.done $0x0  }
0x30: {  	s10 =	simm.s32 $0x0;
	s11 =	simm.s32 $0x200;
	[sflag:s21] =	ssyncadd.s32 $0xFFFFE700  }
.LBB2_2:
0x31: {  	p1 =	sne.s32 s11, $0xFE00;
	[tilespmem:s10+$0xAB70] =	vst v0  }
0x32: {  	[tilespmem:s10+$0xAB00] =	vst v0  }
0x33: {  	[tilespmem:s10+$0xAB10] =	vst v0  }
.Ltmp0:
0x34: {  	[tilespmem:s10+$0xAB20] =	vst v0;
	(pc) =	sbr.rel @p1 .LBB2_2-.Ltmp0, $4  }
0x35: {  	[tilespmem:s10+$0xAB30] =	vst v0  }
0x36: {  	[tilespmem:s10+$0xAB40] =	vst v0  }
0x37: {  	[tilespmem:s10+$0xAB50] =	vst v0  }
0x38: {  	[tilespmem:s10+$0xAB60] =	vst v0;
	s10 =	sshra.s32 s11, $0x2;
	s11 =	sadd.s32 $0x200, s11  }
0x39: {  	[tilespmem:s10+$0xAB70] =	vst v0  }
0x3a: {  	[tilespmem:s10+$0xAB00] =	vst v0  }
0x3b: {  	[tilespmem:s10+$0xAB10] =	vst v0  }
0x3c: {  	[tilespmem:s10+$0xAB20] =	vst v0  }
0x3d: {  	[tilespmem:s10+$0xAB30] =	vst v0  }
0x3e: {  	[tilespmem:s10+$0xAB40] =	vst v0  }
0x3f: {  	[tilespmem:s10+$0xAB50] =	vst v0  }
0x40: {  	[tilespmem:s10+$0xAB60] =	vst v0;
	s10 =	simm.s32 $0x0;
	s11 =	simm.s32 $0x200  }
.LBB2_4:
0x41: {  	p1 =	sne.s32 s11, $0xFE00;
	[tilespmem:s10+$0xEB70] =	vst v0  }
0x42: {  	[tilespmem:s10+$0xEB00] =	vst v0  }
0x43: {  	[tilespmem:s10+$0xEB10] =	vst v0  }
.Ltmp1:
0x44: {  	[tilespmem:s10+$0xEB20] =	vst v0;
	(pc) =	sbr.rel @p1 .LBB2_4-.Ltmp1, $4  }
0x45: {  	[tilespmem:s10+$0xEB30] =	vst v0  }
0x46: {  	[tilespmem:s10+$0xEB40] =	vst v0  }
0x47: {  	[tilespmem:s10+$0xEB50] =	vst v0  }
0x48: {  	[tilespmem:s10+$0xEB60] =	vst v0;
	s10 =	sshra.s32 s11, $0x2;
	s11 =	sadd.s32 $0x200, s11  }
0x49: {  	[tilespmem:s10+$0xEB70] =	vst v0  }
0x4a: {  	[tilespmem:s10+$0xEB00] =	vst v0  }
0x4b: {  	[tilespmem:s10+$0xEB10] =	vst v0  }
0x4c: {  	[tilespmem:s10+$0xEB20] =	vst v0  }
0x4d: {  	[tilespmem:s10+$0xEB30] =	vst v0  }
0x4e: {  	[tilespmem:s10+$0xEB40] =	vst v0  }
0x4f: {  	[tilespmem:s10+$0xEB50] =	vst v0  }
0x50: {  	[tilespmem:s10+$0xEB60] =	vst v0  }
0x51: {  	[tilespmem:s25], [sflag:$0x1] =	stream.indirect.gather.add.f32 [spmem:s4], $0x80, s20, s24, $0xb8;
	[tilespmem:$0x16B00] =	vst v63  }
0x52: {  	_ = 	snop  }
0x53: {  	[tilespmem:s25], [sflag:$0x1] =	stream.indirect.gather.add.f32 [spmem:s6], $0x80, s22, s24, $0xb8;
	[tilespmem:$0x16B00] =	vst v63  }
0x54: {  	_ = 	snop  }
0x55: {  	[tilespmem:s25], [sflag:$0x1] =	stream.indirect.gather.add.f32 [spmem:s7], $0x80, s23, s24, $0xb8;
	[tilespmem:$0x16B00] =	vst v63  }
0x56: {  	s26 =	simm.s32 $0x6080  }
0x57: {  	[tilespmem:s28], [sflag:$0x2] =	stream.indirect.gather.add.f32 [spmem:s4], $0x80, s26, s24, $0xb8;
	[tilespmem:$0x16B00] =	vst v63  }
0x58: {  	s29 =	simm.s32 $0x7980  }
0x59: {  	[tilespmem:s28], [sflag:$0x2] =	stream.indirect.gather.add.f32 [spmem:s6], $0x80, s29, s24, $0xb8;
	[tilespmem:$0x16B00] =	vst v63  }
0x5a: {  	s30 =	simm.s32 $0x9280;
	s26 =	simm.s32 $0x0  }
0x5b: {  	[tilespmem:s28], [sflag:$0x2] =	stream.indirect.gather.add.f32 [spmem:s7], $0x80, s30, s24, $0xb8;
	[tilespmem:$0x16B00] =	vst v63  }
.LBB2_6:
0x5c: {  	s10 =	simm.s32 $0x0;
	s11 =	simm.s32 $0x200  }
.LBB2_7:
0x5d: {  	p1 =	sne.s32 s11, $0xFE00;
	[tilespmem:s10+$0x12B70] =	vst v0  }
0x5e: {  	[tilespmem:s10+$0x12B00] =	vst v0  }
0x5f: {  	[tilespmem:s10+$0x12B10] =	vst v0  }
.Ltmp2:
0x60: {  	[tilespmem:s10+$0x12B20] =	vst v0;
	(pc) =	sbr.rel @p1 .LBB2_7-.Ltmp2, $4  }
0x61: {  	[tilespmem:s10+$0x12B30] =	vst v0  }
0x62: {  	[tilespmem:s10+$0x12B40] =	vst v0  }
0x63: {  	[tilespmem:s10+$0x12B50] =	vst v0  }
0x64: {  	[tilespmem:s10+$0x12B60] =	vst v0;
	s10 =	sshra.s32 s11, $0x2;
	s11 =	sadd.s32 $0x200, s11  }
0x65: {  	[tilespmem:s10+$0x12B70] =	vst v0  }
0x66: {  	[tilespmem:s10+$0x12B00] =	vst v0  }
0x67: {  	[tilespmem:s10+$0x12B10] =	vst v0;
	s30 =	smul.u32 $0x3, s26  }
0x68: {  	[tilespmem:s10+$0x12B20] =	vst v0  }
0x69: {  	[tilespmem:s10+$0x12B30] =	vst v0;
	s29 =	sadd.s32 $0x2, s30  }
0x6a: {  	[tilespmem:s10+$0x12B40] =	vst v0;
	s11 =	sshll.u32 s29, $0x7  }
0x6b: {  	[tilespmem:s10+$0x12B50] =	vst v0;
	s11 =	sand.u32 $0x3FFFFF80, s11  }
0x6c: {  	[tilespmem:s10+$0x12B60] =	vst v0;
	s10 =	sadd.s32 $0x6000, s11  }
0x6d: {  	[tilespmem:s31], [sflag:$0x3] =	stream.indirect.gather.add.f32 [spmem:s4], $0x80, s10, s24, $0xb8;
	[tilespmem:$0x16B00] =	vst v63  }
0x6e: {  	s10 =	sadd.s32 $0x7900, s11  }
0x6f: {  	[tilespmem:s31], [sflag:$0x3] =	stream.indirect.gather.add.f32 [spmem:s6], $0x80, s10, s24, $0xb8;
	[tilespmem:$0x16B00] =	vst v63  }
0x70: {  	s11 =	sadd.s32 $0x9200, s11  }
0x71: {  	[tilespmem:s31], [sflag:$0x3] =	stream.indirect.gather.add.f32 [spmem:s7], $0x80, s11, s24, $0xb8;
	[tilespmem:$0x16B00] =	vst v63  }
0x72: {  	_ =	swait.ge [sflag:s5], $0x4000  }
0x73: {  	[sflag:s5] =	ssyncset.done $0x0  }
0x74: {  	[sflag:s5] =	ssyncadd.s32 $0xFFFFC000  }
0x75: {  	_ =	swait.ge [sflag:s5], $0x4000  }
0x76: {  	[sflag:s5] =	ssyncset.done $0x0  }
0x77: {  	[sflag:s5] =	ssyncadd.s32 $0xFFFFC000  }
0x78: {  	s11 =	sadd.s32 s9, s30;
	_ =	swait.ge [sflag:s5], $0x4000  }
0x79: {  	s10 =	sshll.u32 s11, $0xB;
	[sflag:s5] =	ssyncset.done $0x0  }
0x7a: {  	s11 =	simm.s32 $0x0;
	s10 =	sadd.s32 s3, s10;
	[sflag:s5] =	ssyncadd.s32 $0xFFFFC000  }
0x7b: {  	[hbm4b:s10+s11] =	stream.linear.scatter [tilespmem:s25], [sflag:$0x4], $0x4000, $0x38;
	[tilespmem:$0x16B00] =	vst v63  }
0x7c: {  	_ =	swait.ge [sflag:s21], $0x4000  }
0x7d: {  	[sflag:s21] =	ssyncset.done $0x0  }
0x7e: {  	s11 =	simm.s32 $0x0;
	s10 =	simm.s32 $0x200;
	[sflag:s21] =	ssyncadd.s32 $0xFFFFC000  }
.LBB2_9:
0x7f: {  	p1 =	sne.s32 s10, $0xFE00;
	[tilespmem:s11+$0xAB70] =	vst v0  }
0x80: {  	[tilespmem:s11+$0xAB00] =	vst v0  }
0x81: {  	[tilespmem:s11+$0xAB10] =	vst v0  }
.Ltmp3:
0x82: {  	[tilespmem:s11+$0xAB20] =	vst v0;
	(pc) =	sbr.rel @p1 .LBB2_9-.Ltmp3, $4  }
0x83: {  	[tilespmem:s11+$0xAB30] =	vst v0  }
0x84: {  	[tilespmem:s11+$0xAB40] =	vst v0  }
0x85: {  	[tilespmem:s11+$0xAB50] =	vst v0  }
0x86: {  	[tilespmem:s11+$0xAB60] =	vst v0;
	s11 =	sshra.s32 s10, $0x2;
	s10 =	sadd.s32 $0x200, s10  }
0x87: {  	[tilespmem:s11+$0xAB70] =	vst v0  }
0x88: {  	[tilespmem:s11+$0xAB00] =	vst v0  }
0x89: {  	[tilespmem:s11+$0xAB10] =	vst v0  }
0x8a: {  	[tilespmem:s11+$0xAB20] =	vst v0  }
0x8b: {  	[tilespmem:s11+$0xAB30] =	vst v0;
	s10 =	smul.u32 $0x600, s26  }
0x8c: {  	[tilespmem:s11+$0xAB40] =	vst v0  }
0x8d: {  	[tilespmem:s11+$0xAB50] =	vst v0;
	s10 =	sshra.s32 s10, $0x2  }
0x8e: {  	[tilespmem:s11+$0xAB60] =	vst v0;
	s11 =	sadd.s32 $0x6180, s10  }
0x8f: {  	[tilespmem:s25], [sflag:$0x1] =	stream.indirect.gather.add.f32 [spmem:s4], $0x80, s11, s24, $0xb8;
	[tilespmem:$0x16B00] =	vst v63  }
0x90: {  	s11 =	sadd.s32 $0x7A80, s10  }
0x91: {  	[tilespmem:s25], [sflag:$0x1] =	stream.indirect.gather.add.f32 [spmem:s6], $0x80, s11, s24, $0xb8;
	[tilespmem:$0x16B00] =	vst v63  }
0x92: {  	s11 =	sadd.s32 $0x9380, s10  }
0x93: {  	[tilespmem:s25], [sflag:$0x1] =	stream.indirect.gather.add.f32 [spmem:s7], $0x80, s11, s24, $0xb8;
	[tilespmem:$0x16B00] =	vst v63  }
0x94: {  	_ =	swait.ge [sflag:s0], $0x4000  }
0x95: {  	[sflag:s0] =	ssyncset.done $0x0  }
0x96: {  	[sflag:s0] =	ssyncadd.s32 $0xFFFFC000  }
0x97: {  	_ =	swait.ge [sflag:s0], $0x4000  }
0x98: {  	[sflag:s0] =	ssyncset.done $0x0  }
0x99: {  	s11 =	sadd.s32 s30, s13;
	[sflag:s0] =	ssyncadd.s32 $0xFFFFC000  }
0x9a: {  	s11 =	sshll.u32 s11, $0xB;
	_ =	swait.ge [sflag:s0], $0x4000  }
0x9b: {  	s11 =	sand.u32 $0x1FFFF800, s11;
	[sflag:s0] =	ssyncset.done $0x0  }
0x9c: {  	s30 =	simm.s32 $0x0;
	s11 =	sadd.s32 s3, s11;
	[sflag:s0] =	ssyncadd.s32 $0xFFFFC000  }
0x9d: {  	[hbm4b:s11+s30] =	stream.linear.scatter [tilespmem:s28], [sflag:$0x4], $0x4000, $0x38;
	[tilespmem:$0x16B00] =	vst v63  }
0x9e: {  	_ =	swait.ge [sflag:s21], $0x4000  }
0x9f: {  	[sflag:s21] =	ssyncset.done $0x0  }
0xa0: {  	s11 =	simm.s32 $0x0;
	s30 =	simm.s32 $0x200;
	[sflag:s21] =	ssyncadd.s32 $0xFFFFC000  }
.LBB2_11:
0xa1: {  	p1 =	sne.s32 s30, $0xFE00;
	[tilespmem:s11+$0xEB70] =	vst v0  }
0xa2: {  	[tilespmem:s11+$0xEB00] =	vst v0  }
0xa3: {  	[tilespmem:s11+$0xEB10] =	vst v0  }
.Ltmp4:
0xa4: {  	[tilespmem:s11+$0xEB20] =	vst v0;
	(pc) =	sbr.rel @p1 .LBB2_11-.Ltmp4, $4  }
0xa5: {  	[tilespmem:s11+$0xEB30] =	vst v0  }
0xa6: {  	[tilespmem:s11+$0xEB40] =	vst v0  }
0xa7: {  	[tilespmem:s11+$0xEB50] =	vst v0  }
0xa8: {  	[tilespmem:s11+$0xEB60] =	vst v0;
	s11 =	sshra.s32 s30, $0x2;
	s30 =	sadd.s32 $0x200, s30  }
0xa9: {  	[tilespmem:s11+$0xEB70] =	vst v0  }
0xaa: {  	[tilespmem:s11+$0xEB00] =	vst v0  }
0xab: {  	[tilespmem:s11+$0xEB10] =	vst v0  }
0xac: {  	[tilespmem:s11+$0xEB20] =	vst v0  }
0xad: {  	[tilespmem:s11+$0xEB30] =	vst v0  }
0xae: {  	[tilespmem:s11+$0xEB40] =	vst v0  }
0xaf: {  	[tilespmem:s11+$0xEB50] =	vst v0  }
0xb0: {  	[tilespmem:s11+$0xEB60] =	vst v0;
	s30 =	sadd.s32 $0x6200, s10  }
0xb1: {  	[tilespmem:s28], [sflag:$0x2] =	stream.indirect.gather.add.f32 [spmem:s4], $0x80, s30, s24, $0xb8;
	[tilespmem:$0x16B00] =	vst v63  }
0xb2: {  	s30 =	sadd.s32 $0x7B00, s10  }
0xb3: {  	[tilespmem:s28], [sflag:$0x2] =	stream.indirect.gather.add.f32 [spmem:s6], $0x80, s30, s24, $0xb8;
	[tilespmem:$0x16B00] =	vst v63  }
0xb4: {  	s11 =	sadd.s32 $0x9400, s10  }
0xb5: {  	[tilespmem:s28], [sflag:$0x2] =	stream.indirect.gather.add.f32 [spmem:s7], $0x80, s11, s24, $0xb8;
	[tilespmem:$0x16B00] =	vst v63  }
0xb6: {  	_ =	swait.ge [sflag:s1], $0x4000  }
0xb7: {  	[sflag:s1] =	ssyncset.done $0x0  }
0xb8: {  	[sflag:s1] =	ssyncadd.s32 $0xFFFFC000  }
0xb9: {  	_ =	swait.ge [sflag:s1], $0x4000  }
0xba: {  	[sflag:s1] =	ssyncset.done $0x0  }
0xbb: {  	s30 =	sadd.s32 s9, s29;
	[sflag:s1] =	ssyncadd.s32 $0xFFFFC000  }
0xbc: {  	s26 =	sadd.s32 $0x1, s26;
	s10 =	sshll.u32 s30, $0xB;
	_ =	swait.ge [sflag:s1], $0x4000  }
0xbd: {  	p1 =	sne.s32 s26, $0x10;
	s10 =	sand.u32 $0x1FFFF800, s10;
	[sflag:s1] =	ssyncset.done $0x0  }
.Ltmp5:
0xbe: {  	s10 =	sadd.s32 s3, s10;
	[sflag:s1] =	ssyncadd.s32 $0xFFFFC000;
	(pc) =	sbr.rel @p1 .LBB2_6-.Ltmp5, $4  }
0xbf: {  	[hbm4b:s10+s8] =	stream.linear.scatter [tilespmem:s31], [sflag:$0x4], $0x4000, $0x38;
	[tilespmem:$0x16B00] =	vst v63  }
0xc0: {  	_ =	swait.ge [sflag:s21], $0x4000  }
0xc1: {  	[sflag:s21] =	ssyncset.done $0x0  }
0xc2: {  	[sflag:s21] =	ssyncadd.s32 $0xFFFFC000  }
0xc3: {  	_ =	swait.ge [sflag:s5], $0x4000  }
0xc4: {  	[sflag:s5] =	ssyncset.done $0x0  }
0xc5: {  	[sflag:s5] =	ssyncadd.s32 $0xFFFFC000  }
0xc6: {  	_ =	swait.ge [sflag:s5], $0x4000  }
0xc7: {  	[sflag:s5] =	ssyncset.done $0x0  }
0xc8: {  	[sflag:s5] =	ssyncadd.s32 $0xFFFFC000  }
0xc9: {  	_ =	swait.ge [sflag:s5], $0x4000  }
0xca: {  	[sflag:s5] =	ssyncset.done $0x0  }
0xcb: {  	[sflag:s5] =	ssyncadd.s32 $0xFFFFC000  }
0xcc: {  	[hbm4b:s14+s8] =	stream.linear.scatter [tilespmem:s25], [sflag:$0x4], $0x4000, $0x38;
	[tilespmem:$0x16B00] =	vst v63  }
0xcd: {  	_ =	swait.ge [sflag:s21], $0x4000  }
0xce: {  	[sflag:s21] =	ssyncset.done $0x0  }
0xcf: {  	[sflag:s21] =	ssyncadd.s32 $0xFFFFC000  }
0xd0: {  	_ =	swait.ge [sflag:s0], $0x4000  }
0xd1: {  	[sflag:s0] =	ssyncset.done $0x0  }
0xd2: {  	[sflag:s0] =	ssyncadd.s32 $0xFFFFC000  }
0xd3: {  	_ =	swait.ge [sflag:s0], $0x4000  }
0xd4: {  	[sflag:s0] =	ssyncset.done $0x0  }
0xd5: {  	[sflag:s0] =	ssyncadd.s32 $0xFFFFC000  }
0xd6: {  	s2 =	sadd.s32 $0x1, s2;
	_ =	swait.ge [sflag:s0], $0x4000  }
0xd7: {  	p1 =	sne.s32 s2, s16;
	[sflag:s0] =	ssyncset.done $0x0  }
.Ltmp6:
0xd8: {  	[sflag:s0] =	ssyncadd.s32 $0xFFFFC000;
	(pc) =	sbr.rel @p1 .LBB2_1-.Ltmp6, $4  }
0xd9: {  	[hbm4b:s15+s8] =	stream.linear.scatter [tilespmem:s28], [sflag:$0x4], $0x4000, $0x38;
	[tilespmem:$0x16B00] =	vst v63  }
0xda: {  	_ =	swait.ge [sflag:s21], $0x4000  }
0xdb: {  	[sflag:s21] =	ssyncset.done $0x0  }
0xdc: {  	[sflag:s21] =	ssyncadd.s32 $0xFFFFC000  }
0xdd: {  	_ =	sfence.sel $0x180000  }
0xde: {  	[bflag:$0x0] =	sbarrier.arrive $0xFFFF  }
0xdf: {  	_ =	strace $0x90000047  }
0xe0: {  	[bflag:$0x2] =	sbarrier.arrive $0xFFFF  }
0xe1: {  	s0 =	rddreg [dreg:$0x8]  }
0xe2: {  	s0 =	sadd.s32 @!p0 $0x100000, s0  }
0xe3: {  	[sflag:s0] =	ssyncadd.tile.s32 @!p0 $0x1;
	_ =	shalt  }
.Lfunc_end2:
_tile_overlayer_lowered:
.L_overlay_start_2:
0xe4: {  	(tag) =	ssettag $0x2  }
0xe5: {  	s0 =	rddreg [dreg:$0x0];
	s2 =	stileid.u32  }
0xe6: {  	s1 =	rddreg [dreg:$0x1];
	p0 =	sne.s32 s2, $0x0  }
0xe7: {  	s3 =	rddreg [dreg:$0x2];
	[bflag:$0x3] =	sbarrier.arrive $0xFFFF;
	s2 =	simm.s32 @!p0 $0x1C04  }
0xe8: {  	[timem:s3], [sflag:s2] =	dma.local @!p0 [hbm:s0], s1  }
0xe9: {  	s0 =	simm.s32 @!p0 $0x4  }
0xea: {  	_ =	swait.ge @!p0 [sflag:s0], s1  }
0xeb: {  	s1 =	ssub.s32 @!p0 $0x0, s1;
	[sflag:s0] =	ssyncset.done @!p0 $0x0  }
0xec: {  	[sflag:s0] =	ssyncadd.s32 @!p0 s1  }
0xed: {  	[bflag:$0x3] =	sbarrier.arrive $0xFFFF  }
0xee: {  	_ =	shalt  }

</sc_bundles>
